<compile_context>
chip_gen: v7x
topology: tpu7x:2x2x1
jax: 0.10.2.dev20260603
libtpu: 0.0.44.dev20260713+nightly
codegen_flags: <defaults>
</compile_context>

<pallas_src>
import functools

import jax
import jax.numpy as jnp
from jax import lax
from jax.experimental import pallas as pl
from jax.experimental.pallas import tpu as pltpu
from jax.experimental.pallas import tpu_sc as plsc

LEN_RULES = 100000
NUM_REL_RULES = 50000
PAD = NUM_REL_RULES
BATCH = 16384
HIST = 200

NC = 2
NS = 16
NW = NC * NS
L = 16

G2L_PAD = 100352
G2L_SLICE = G2L_PAD // NS
TABLE_PAD = 50048
TABLE_MAIN = 49920
TABLE_TAIL = 80
PAD_IDX = 100001
G2L_LAST = 5888
G2L_REST = 32

ROWS_PER_W = BATCH // NW
GROUP_ROWS = 32
GROUPS = ROWS_PER_W // GROUP_ROWS
GROUP_WORDS = GROUP_ROWS * HIST

_mesh = plsc.VectorSubcoreMesh(core_axis_name="c", subcore_axis_name="s")


@functools.partial(
    pl.kernel,
    mesh=_mesh,
    compiler_params=pltpu.CompilerParams(needs_layout_passes=False),
    out_type=jax.ShapeDtypeStruct((BATCH,), jnp.float32),
    scratch_types=[
        pltpu.VMEM((G2L_PAD,), jnp.float32),
        pltpu.VMEM((GROUP_ROWS, HIST), jnp.int32),
        pltpu.VMEM((GROUP_ROWS, HIST), jnp.int32),
        pltpu.VMEM((G2L_SLICE,), jnp.int32),
        pltpu.VMEM((ROWS_PER_W,), jnp.float32),
        pltpu.VMEM((L,), jnp.float32),
        pltpu.VMEM((L * L,), jnp.float32),
        pltpu.VMEM((TABLE_TAIL,), jnp.float32),
        pltpu.VMEM((G2L_REST,), jnp.int32),
        pltpu.VMEM_SHARED((G2L_PAD,), jnp.float32),
        pltpu.SemaphoreType.DMA,
        pltpu.SemaphoreType.DMA,
    ],
)
def _agg(rules_hbm, g2l_hbm, table_hbm, bias_hbm, out_hbm,
         big_v, rbuf0, rbuf1, g2l_v, out_v, bias_v, amat, ttail, gtail,
         shared, sem0, sem1):
    c = lax.axis_index("c")
    s = lax.axis_index("s")
    wid = s * NC + c
    lane = lax.iota(jnp.int32, L)
    base_row = wid * ROWS_PER_W
    sems = (sem0, sem1)
    rbufs = (rbuf0, rbuf1)

    def rules_dma(g, b):
        start = base_row + g * GROUP_ROWS
        return pltpu.async_copy(rules_hbm.at[pl.ds(start, GROUP_ROWS)],
                                rbufs[b], sems[b])

    handles = [rules_dma(0, 0), rules_dma(1, 1)]

    pltpu.sync_copy(table_hbm.at[pl.ds(0, TABLE_MAIN)],
                    big_v.at[pl.ds(0, TABLE_MAIN)])
    pltpu.sync_copy(table_hbm.at[pl.ds(TABLE_MAIN, TABLE_TAIL)], ttail)
    for k in range(TABLE_TAIL // L):
        big_v[pl.ds(TABLE_MAIN + k * L, L)] = ttail[pl.ds(k * L, L)]

    @pl.when(s < NS - 1)
    def _():
        pltpu.sync_copy(g2l_hbm.at[pl.ds(s * G2L_SLICE, G2L_SLICE)], g2l_v)

    @pl.when(s == NS - 1)
    def _():
        base = (NS - 1) * G2L_SLICE
        pltpu.sync_copy(g2l_hbm.at[pl.ds(base, G2L_LAST)],
                        g2l_v.at[pl.ds(0, G2L_LAST)])
        pltpu.sync_copy(g2l_hbm.at[pl.ds(base + G2L_LAST, G2L_REST)], gtail)
        for k in range(G2L_REST // L):
            g2l_v[pl.ds(G2L_LAST + k * L, L)] = gtail[pl.ds(k * L, L)]
        padv = jnp.full((L,), PAD, jnp.int32)
        for k in range((G2L_SLICE - G2L_LAST - G2L_REST) // L):
            g2l_v[pl.ds(G2L_LAST + G2L_REST + k * L, L)] = padv

    def compose(j, carry):
        ids = g2l_v[pl.ds(j * L, L)]
        vals = plsc.load_gather(big_v, [ids])
        vals = jnp.where(ids >= PAD, 0.0, vals)
        big_v[pl.ds(TABLE_PAD + j * L, L)] = vals
        return carry

    lax.fori_loop(0, G2L_SLICE // L, compose, 0)
    pltpu.sync_copy(big_v.at[pl.ds(TABLE_PAD, G2L_SLICE)],
                    shared.at[pl.ds(s * G2L_SLICE, G2L_SLICE)])
    plsc.subcore_barrier()
    pltpu.sync_copy(shared, big_v)
    pltpu.sync_copy(bias_hbm, bias_v)

    bv = bias_v[...]

    def pair_body(g2, carry):
        for b in (0, 1):
            g = g2 * 2 + b
            start = base_row + g * GROUP_ROWS
            pltpu.make_async_copy(
                rules_hbm.at[pl.ds(start, GROUP_ROWS)], rbufs[b],
                sems[b]).wait()
            rbuf = rbufs[b]

            def block_body(blk, carry2):
                @plsc.parallel_loop(0, L, unroll=2)
                def _(r):
                    rr = blk * L + r
                    acc = plsc.load_gather(big_v, [rbuf[rr, pl.ds(0, L)]])
                    for j in range(1, 12):
                        ids = rbuf[rr, pl.ds(j * L, L)]
                        acc = acc + plsc.load_gather(big_v, [ids])
                    tids = rbuf[rr, pl.ds(HIST - L, L)]
                    tids = jnp.where(lane >= L - (HIST - 12 * L),
                                     tids, PAD_IDX)
                    acc = acc + plsc.load_gather(big_v, [tids])
                    amat[pl.ds(r * L, L)] = acc
                tot = plsc.load_gather(amat, [lane * L])
                for j in range(1, L):
                    tot = tot + plsc.load_gather(amat, [lane * L + j])
                out_v[pl.ds(g * GROUP_ROWS + blk * L, L)] = tot + bv
                return carry2

            lax.fori_loop(0, GROUP_ROWS // L, block_body, 0)

            @pl.when(g2 < GROUPS // 2 - 1)
            def _():
                pltpu.async_copy(
                    rules_hbm.at[pl.ds(start + 2 * GROUP_ROWS, GROUP_ROWS)],
                    rbufs[b], sems[b])
        return carry

    lax.fori_loop(0, GROUPS // 2, pair_body, 0)
    pltpu.sync_copy(out_v, out_hbm.at[pl.ds(base_row, ROWS_PER_W)])


def kernel(rules, global_to_local, rules_table, bias):
    table_flat = rules_table.reshape(-1)
    bias16 = jnp.broadcast_to(bias.reshape(()), (L,)).astype(jnp.float32)
    out = _agg(rules, global_to_local, table_flat, bias16)
    return out.reshape(BATCH, 1)

# --- scband reference (transcript-rebuilt; emitter-appended) ---
"""Pipeline reference for scband-linear-aggregator-26414048871068 (READ-ONLY COPY).

The authoritative reference and input builder live on the scoring server;
editing this copy changes nothing except your own understanding.
"""

import jax, jax.numpy as jnp
import numpy as np

LEN_RULES = 100000          # size of global rule vocabulary (rule_features)
NUM_REL_RULES = 50000       # rules mapped to this relation (rule_map[relation])
PAD = NUM_REL_RULES         # padding_idx of the local embedding table
BATCH = 16384
HIST = 200


def setup_inputs(seed: int = 0) -> dict:
    key = jax.random.key(seed)
    k1, k2, k3 = jax.random.split(key, 3)
    # forward arg: global rule ids, values in [0, LEN_RULES)
    rules = jax.random.randint(k1, (BATCH, HIST), 0, LEN_RULES, dtype=jnp.int32)
    # buffer: global_to_local remap table of size LEN_RULES+1, default PAD
    rng = np.random.default_rng(0)
    rel_ids = np.sort(rng.choice(LEN_RULES, size=NUM_REL_RULES, replace=False))
    g2l = np.full((LEN_RULES + 1,), PAD, dtype=np.int32)
    g2l[rel_ids] = np.arange(NUM_REL_RULES, dtype=np.int32)
    global_to_local = jnp.asarray(g2l)
    # parameter: local rule-confidence embedding table [NUM_REL_RULES+1, 1], pad row = 0
    rules_table = jax.random.normal(k2, (NUM_REL_RULES + 1, 1), dtype=jnp.float32) * 0.1
    rules_table = rules_table.at[PAD].set(0.0)
    # parameter: bias [1, 1]
    bias = jax.random.uniform(k3, (1, 1), minval=-0.01, maxval=0.01, dtype=jnp.float32)
    return {
        "rules": rules,
        "global_to_local": global_to_local,
        "rules_table": rules_table,
        "bias": bias,
    }


def reference(rules, global_to_local, rules_table, bias):
    # local_rules = self.global_to_local[rules.long()]
    local_rules = jnp.take(global_to_local, rules, axis=0)          # [B, L]
    # mask = local_rules == self.pad_local_tok
    mask = local_rules == PAD                                        # [B, L]
    # local_rules = self.rules(local_rules)  (embedding lookup, dim=1)
    emb = jnp.take(rules_table, local_rules, axis=0)                 # [B, L, 1]
    # local_rules.masked_fill_(mask.unsqueeze(dim=2), 0.0)
    emb = jnp.where(mask[..., None], 0.0, emb)
    # sign_constraint=False -> no squaring
    # logits = local_rules.sum(dim=1) + self.bias
    logits = emb.sum(axis=1) + bias                                  # [B, 1]
    return logits

if __name__ == "__main__":
    import jax
    _d = setup_inputs()
    print(jax.jit(kernel)(*tuple(_d.values())))

</pallas_src>

<mosaic_0001>
#map = affine_map<(d0, d1) -> (0, 0)>
#map1 = affine_map<(d0, d1) -> (0)>
module attributes {stable_mosaic.version = 14 : i64} {
  func.func @_agg(%arg0: i32, %arg1: i32, %arg2: memref<16384x200xi32, #tpu.memory_space<hbm>>, %arg3: memref<100001xi32, #tpu.memory_space<hbm>>, %arg4: memref<50001xf32, #tpu.memory_space<hbm>>, %arg5: memref<16xf32, #tpu.memory_space<hbm>>, %arg6: memref<16384xf32, #tpu.memory_space<hbm>>, %arg7: memref<100352xf32, #tpu.memory_space<vmem>>, %arg8: memref<32x200xi32, #tpu.memory_space<vmem>>, %arg9: memref<32x200xi32, #tpu.memory_space<vmem>>, %arg10: memref<6272xi32, #tpu.memory_space<vmem>>, %arg11: memref<512xf32, #tpu.memory_space<vmem>>, %arg12: memref<16xf32, #tpu.memory_space<vmem>>, %arg13: memref<256xf32, #tpu.memory_space<vmem>>, %arg14: memref<80xf32, #tpu.memory_space<vmem>>, %arg15: memref<32xi32, #tpu.memory_space<vmem>>, %arg16: memref<100352xf32, #tpu.memory_space<vmem_shared>>, %arg17: memref<!tpu.dma_semaphore, #tpu.memory_space<semaphore_mem>>, %arg18: memref<!tpu.dma_semaphore, #tpu.memory_space<semaphore_mem>>) attributes {dimension_semantics = [#tpu.dimension_semantics<core_parallel>, #tpu.dimension_semantics<subcore_parallel>], iteration_bounds = array<i64: 2, 16>, scalar_prefetch = 0 : i64, scratch_operands = 12 : i64, tpu.core_type = #tpu.core_type<sc_vector_subcore>, window_params = [{transform_indices = #map}, {transform_indices = #map1}, {transform_indices = #map1}, {transform_indices = #map1}, {transform_indices = #map1}]} {
    %mul3A = arith.constant 2 : i32
    %mul3A_0 = arith.muli %arg1, %mul3A : i32
    %add3A = arith.addi %mul3A_0, %arg0 : i32
    %iota3A = tpu.iota {dimensions = array<i32: 0>} : vector<16xi32>
    %mul3A_1 = arith.constant 512 : i32
    %mul3A_2 = arith.muli %add3A, %mul3A_1 : i32
    %add3A_3 = arith.constant 0 : i32
    %add3A_4 = arith.addi %mul3A_2, %add3A_3 : i32
    %dma_start3A = arith.constant 0 : i32
    %dma_start3A_5 = tpu.memref_slice %arg2[%add3A_4, %dma_start3A] : memref<16384x200xi32, #tpu.memory_space<hbm>> -> memref<32x200xi32, #tpu.memory_space<hbm>>
    %dma_start3A_6 = arith.constant 0 : i32
    %dma_start3A_7 = tpu.memref_slice %arg2[%add3A_4, %dma_start3A_6] : memref<16384x200xi32, #tpu.memory_space<hbm>> -> memref<32x200xi32, #tpu.memory_space<hbm>>
    tpu.enqueue_dma source(%dma_start3A_7 : memref<32x200xi32, #tpu.memory_space<hbm>>) target(%arg8 : memref<32x200xi32, #tpu.memory_space<vmem>>) target_semaphore(%arg17 : memref<!tpu.dma_semaphore, #tpu.memory_space<semaphore_mem>>)
    %add3A_8 = arith.constant 32 : i32
    %add3A_9 = arith.addi %mul3A_2, %add3A_8 : i32
    %dma_start3A_10 = arith.constant 0 : i32
    %dma_start3A_11 = tpu.memref_slice %arg2[%add3A_9, %dma_start3A_10] : memref<16384x200xi32, #tpu.memory_space<hbm>> -> memref<32x200xi32, #tpu.memory_space<hbm>>
    %dma_start3A_12 = arith.constant 0 : i32
    %dma_start3A_13 = tpu.memref_slice %arg2[%add3A_9, %dma_start3A_12] : memref<16384x200xi32, #tpu.memory_space<hbm>> -> memref<32x200xi32, #tpu.memory_space<hbm>>
    tpu.enqueue_dma source(%dma_start3A_13 : memref<32x200xi32, #tpu.memory_space<hbm>>) target(%arg9 : memref<32x200xi32, #tpu.memory_space<vmem>>) target_semaphore(%arg18 : memref<!tpu.dma_semaphore, #tpu.memory_space<semaphore_mem>>)
    "tpu.region"() ({
      %run_scoped3A = tpu.sem_alloc : memref<!tpu.dma_semaphore, #tpu.memory_space<semaphore_mem>>
      %dma_start3A_53 = arith.constant 0 : i32
      %dma_start3A_54 = tpu.memref_slice %arg7[%dma_start3A_53] : memref<100352xf32, #tpu.memory_space<vmem>> -> memref<49920xf32, #tpu.memory_space<vmem>>
      %dma_start3A_55 = arith.constant 0 : i32
      %dma_start3A_56 = tpu.memref_slice %arg4[%dma_start3A_55] : memref<50001xf32, #tpu.memory_space<hbm>> -> memref<49920xf32, #tpu.memory_space<hbm>>
      %dma_start3A_57 = arith.constant 0 : i32
      %dma_start3A_58 = tpu.memref_slice %arg7[%dma_start3A_57] : memref<100352xf32, #tpu.memory_space<vmem>> -> memref<49920xf32, #tpu.memory_space<vmem>>
      %dma_start3A_59 = arith.constant 0 : i32
      %dma_start3A_60 = tpu.memref_slice %arg4[%dma_start3A_59] : memref<50001xf32, #tpu.memory_space<hbm>> -> memref<49920xf32, #tpu.memory_space<hbm>>
      tpu.enqueue_dma source(%dma_start3A_60 : memref<49920xf32, #tpu.memory_space<hbm>>) target(%dma_start3A_58 : memref<49920xf32, #tpu.memory_space<vmem>>) target_semaphore(%run_scoped3A : memref<!tpu.dma_semaphore, #tpu.memory_space<semaphore_mem>>)
      %dma_wait3A = arith.constant 0 : i32
      %dma_wait3A_61 = tpu.memref_slice %arg7[%dma_wait3A] : memref<100352xf32, #tpu.memory_space<vmem>> -> memref<49920xf32, #tpu.memory_space<vmem>>
      %dma_wait3A_62 = arith.constant 0 : i32
      %dma_wait3A_63 = tpu.memref_slice %arg4[%dma_wait3A_62] : memref<50001xf32, #tpu.memory_space<hbm>> -> memref<49920xf32, #tpu.memory_space<hbm>>
      %dma_wait3A_64 = arith.constant 0 : i32
      %dma_wait3A_65 = tpu.memref_slice %arg7[%dma_wait3A_64] : memref<100352xf32, #tpu.memory_space<vmem>> -> memref<49920xf32, #tpu.memory_space<vmem>>
      %dma_wait3A_66 = arith.constant 0 : i32
      %dma_wait3A_67 = tpu.memref_slice %arg4[%dma_wait3A_66] : memref<50001xf32, #tpu.memory_space<hbm>> -> memref<49920xf32, #tpu.memory_space<hbm>>
      tpu.wait_dma2 semaphore(%run_scoped3A : memref<!tpu.dma_semaphore, #tpu.memory_space<semaphore_mem>>) src(%dma_wait3A_67 : memref<49920xf32, #tpu.memory_space<hbm>>) dst(%dma_wait3A_65 : memref<49920xf32, #tpu.memory_space<vmem>>)
      tpu.yield
    }) : () -> ()
    "tpu.region"() ({
      %run_scoped3A = tpu.sem_alloc : memref<!tpu.dma_semaphore, #tpu.memory_space<semaphore_mem>>
      %dma_start3A_53 = arith.constant 49920 : i32
      %dma_start3A_54 = tpu.memref_slice %arg4[%dma_start3A_53] : memref<50001xf32, #tpu.memory_space<hbm>> -> memref<80xf32, #tpu.memory_space<hbm>>
      %dma_start3A_55 = arith.constant 49920 : i32
      %dma_start3A_56 = tpu.memref_slice %arg4[%dma_start3A_55] : memref<50001xf32, #tpu.memory_space<hbm>> -> memref<80xf32, #tpu.memory_space<hbm>>
      tpu.enqueue_dma source(%dma_start3A_56 : memref<80xf32, #tpu.memory_space<hbm>>) target(%arg14 : memref<80xf32, #tpu.memory_space<vmem>>) target_semaphore(%run_scoped3A : memref<!tpu.dma_semaphore, #tpu.memory_space<semaphore_mem>>)
      %dma_wait3A = arith.constant 49920 : i32
      %dma_wait3A_57 = tpu.memref_slice %arg4[%dma_wait3A] : memref<50001xf32, #tpu.memory_space<hbm>> -> memref<80xf32, #tpu.memory_space<hbm>>
      %dma_wait3A_58 = arith.constant 49920 : i32
      %dma_wait3A_59 = tpu.memref_slice %arg4[%dma_wait3A_58] : memref<50001xf32, #tpu.memory_space<hbm>> -> memref<80xf32, #tpu.memory_space<hbm>>
      tpu.wait_dma2 semaphore(%run_scoped3A : memref<!tpu.dma_semaphore, #tpu.memory_space<semaphore_mem>>) src(%dma_wait3A_59 : memref<80xf32, #tpu.memory_space<hbm>>) dst(%arg14 : memref<80xf32, #tpu.memory_space<vmem>>)
      tpu.yield
    }) : () -> ()
    %get3A = arith.constant 0 : index
    %get3A_14 = tpu.vector_load %arg14[%get3A] {strides = array<i32>} : memref<80xf32, #tpu.memory_space<vmem>>, vector<16xf32>,
    %swap3A = arith.constant 49920 : index
    %swap3A_15 = tpu.vector_load %arg7[%swap3A] {strides = array<i32>} : memref<100352xf32, #tpu.memory_space<vmem>>, vector<16xf32>,
    tpu.vector_store %arg7[%swap3A], %get3A_14 {strides = array<i32>} : memref<100352xf32, #tpu.memory_space<vmem>>, vector<16xf32>,
    %get3A_16 = arith.constant 16 : index
    %get3A_17 = tpu.vector_load %arg14[%get3A_16] {strides = array<i32>} : memref<80xf32, #tpu.memory_space<vmem>>, vector<16xf32>,
    %swap3A_18 = arith.constant 49936 : index
    %swap3A_19 = tpu.vector_load %arg7[%swap3A_18] {strides = array<i32>} : memref<100352xf32, #tpu.memory_space<vmem>>, vector<16xf32>,
    tpu.vector_store %arg7[%swap3A_18], %get3A_17 {strides = array<i32>} : memref<100352xf32, #tpu.memory_space<vmem>>, vector<16xf32>,
    %get3A_20 = arith.constant 32 : index
    %get3A_21 = tpu.vector_load %arg14[%get3A_20] {strides = array<i32>} : memref<80xf32, #tpu.memory_space<vmem>>, vector<16xf32>,
    %swap3A_22 = arith.constant 49952 : index
    %swap3A_23 = tpu.vector_load %arg7[%swap3A_22] {strides = array<i32>} : memref<100352xf32, #tpu.memory_space<vmem>>, vector<16xf32>,
    tpu.vector_store %arg7[%swap3A_22], %get3A_21 {strides = array<i32>} : memref<100352xf32, #tpu.memory_space<vmem>>, vector<16xf32>,
    %get3A_24 = arith.constant 48 : index
    %get3A_25 = tpu.vector_load %arg14[%get3A_24] {strides = array<i32>} : memref<80xf32, #tpu.memory_space<vmem>>, vector<16xf32>,
    %swap3A_26 = arith.constant 49968 : index
    %swap3A_27 = tpu.vector_load %arg7[%swap3A_26] {strides = array<i32>} : memref<100352xf32, #tpu.memory_space<vmem>>, vector<16xf32>,
    tpu.vector_store %arg7[%swap3A_26], %get3A_25 {strides = array<i32>} : memref<100352xf32, #tpu.memory_space<vmem>>, vector<16xf32>,
    %get3A_28 = arith.constant 64 : index
    %get3A_29 = tpu.vector_load %arg14[%get3A_28] {strides = array<i32>} : memref<80xf32, #tpu.memory_space<vmem>>, vector<16xf32>,
    %swap3A_30 = arith.constant 49984 : index
    %swap3A_31 = tpu.vector_load %arg7[%swap3A_30] {strides = array<i32>} : memref<100352xf32, #tpu.memory_space<vmem>>, vector<16xf32>,
    tpu.vector_store %arg7[%swap3A_30], %get3A_29 {strides = array<i32>} : memref<100352xf32, #tpu.memory_space<vmem>>, vector<16xf32>,
    %lt3A = arith.constant 15 : i32
    %lt3A_32 = arith.cmpi slt, %arg1, %lt3A : i32
    %convert_element_type3A = arith.extui %lt3A_32 : i1 to i32
    %cond3A = arith.constant 0 : i32
    %cond3A_33 = arith.cmpi ne, %convert_element_type3A, %cond3A : i32
    scf.if %cond3A_33 {
      %mul3A_53 = arith.constant 6272 : i32
      %mul3A_54 = arith.muli %arg1, %mul3A_53 : i32
      "tpu.region"() ({
        %run_scoped3A = tpu.sem_alloc : memref<!tpu.dma_semaphore, #tpu.memory_space<semaphore_mem>>
        %dma_start3A_55 = tpu.memref_slice %arg3[%mul3A_54] : memref<100001xi32, #tpu.memory_space<hbm>> -> memref<6272xi32, #tpu.memory_space<hbm>>
        %dma_start3A_56 = tpu.memref_slice %arg3[%mul3A_54] : memref<100001xi32, #tpu.memory_space<hbm>> -> memref<6272xi32, #tpu.memory_space<hbm>>
        tpu.enqueue_dma source(%dma_start3A_56 : memref<6272xi32, #tpu.memory_space<hbm>>) target(%arg10 : memref<6272xi32, #tpu.memory_space<vmem>>) target_semaphore(%run_scoped3A : memref<!tpu.dma_semaphore, #tpu.memory_space<semaphore_mem>>)
        %dma_wait3A = tpu.memref_slice %arg3[%mul3A_54] : memref<100001xi32, #tpu.memory_space<hbm>> -> memref<6272xi32, #tpu.memory_space<hbm>>
        %dma_wait3A_57 = tpu.memref_slice %arg3[%mul3A_54] : memref<100001xi32, #tpu.memory_space<hbm>> -> memref<6272xi32, #tpu.memory_space<hbm>>
        tpu.wait_dma2 semaphore(%run_scoped3A : memref<!tpu.dma_semaphore, #tpu.memory_space<semaphore_mem>>) src(%dma_wait3A_57 : memref<6272xi32, #tpu.memory_space<hbm>>) dst(%arg10 : memref<6272xi32, #tpu.memory_space<vmem>>)
        tpu.yield
      }) : () -> ()
    } else {
    }
    %eq3A = arith.constant 15 : i32
    %eq3A_34 = arith.cmpi eq, %arg1, %eq3A : i32
    %convert_element_type3A_35 = arith.extui %eq3A_34 : i1 to i32
    %cond3A_36 = arith.constant 0 : i32
    %cond3A_37 = arith.cmpi ne, %convert_element_type3A_35, %cond3A_36 : i32
    scf.if %cond3A_37 {
      "tpu.region"() ({
        %run_scoped3A = tpu.sem_alloc : memref<!tpu.dma_semaphore, #tpu.memory_space<semaphore_mem>>
        %dma_start3A_106 = arith.constant 0 : i32
        %dma_start3A_107 = tpu.memref_slice %arg10[%dma_start3A_106] : memref<6272xi32, #tpu.memory_space<vmem>> -> memref<5888xi32, #tpu.memory_space<vmem>>
        %dma_start3A_108 = arith.constant 94080 : i32
        %dma_start3A_109 = tpu.memref_slice %arg3[%dma_start3A_108] : memref<100001xi32, #tpu.memory_space<hbm>> -> memref<5888xi32, #tpu.memory_space<hbm>>
        %dma_start3A_110 = arith.constant 0 : i32
        %dma_start3A_111 = tpu.memref_slice %arg10[%dma_start3A_110] : memref<6272xi32, #tpu.memory_space<vmem>> -> memref<5888xi32, #tpu.memory_space<vmem>>
        %dma_start3A_112 = arith.constant 94080 : i32
        %dma_start3A_113 = tpu.memref_slice %arg3[%dma_start3A_112] : memref<100001xi32, #tpu.memory_space<hbm>> -> memref<5888xi32, #tpu.memory_space<hbm>>
        tpu.enqueue_dma source(%dma_start3A_113 : memref<5888xi32, #tpu.memory_space<hbm>>) target(%dma_start3A_111 : memref<5888xi32, #tpu.memory_space<vmem>>) target_semaphore(%run_scoped3A : memref<!tpu.dma_semaphore, #tpu.memory_space<semaphore_mem>>)
        %dma_wait3A = arith.constant 0 : i32
        %dma_wait3A_114 = tpu.memref_slice %arg10[%dma_wait3A] : memref<6272xi32, #tpu.memory_space<vmem>> -> memref<5888xi32, #tpu.memory_space<vmem>>
        %dma_wait3A_115 = arith.constant 94080 : i32
        %dma_wait3A_116 = tpu.memref_slice %arg3[%dma_wait3A_115] : memref<100001xi32, #tpu.memory_space<hbm>> -> memref<5888xi32, #tpu.memory_space<hbm>>
        %dma_wait3A_117 = arith.constant 0 : i32
        %dma_wait3A_118 = tpu.memref_slice %arg10[%dma_wait3A_117] : memref<6272xi32, #tpu.memory_space<vmem>> -> memref<5888xi32, #tpu.memory_space<vmem>>
        %dma_wait3A_119 = arith.constant 94080 : i32
        %dma_wait3A_120 = tpu.memref_slice %arg3[%dma_wait3A_119] : memref<100001xi32, #tpu.memory_space<hbm>> -> memref<5888xi32, #tpu.memory_space<hbm>>
        tpu.wait_dma2 semaphore(%run_scoped3A : memref<!tpu.dma_semaphore, #tpu.memory_space<semaphore_mem>>) src(%dma_wait3A_120 : memref<5888xi32, #tpu.memory_space<hbm>>) dst(%dma_wait3A_118 : memref<5888xi32, #tpu.memory_space<vmem>>)
        tpu.yield
      }) : () -> ()
      "tpu.region"() ({
        %run_scoped3A = tpu.sem_alloc : memref<!tpu.dma_semaphore, #tpu.memory_space<semaphore_mem>>
        %dma_start3A_106 = arith.constant 99968 : i32
        %dma_start3A_107 = tpu.memref_slice %arg3[%dma_start3A_106] : memref<100001xi32, #tpu.memory_space<hbm>> -> memref<32xi32, #tpu.memory_space<hbm>>
        %dma_start3A_108 = arith.constant 99968 : i32
        %dma_start3A_109 = tpu.memref_slice %arg3[%dma_start3A_108] : memref<100001xi32, #tpu.memory_space<hbm>> -> memref<32xi32, #tpu.memory_space<hbm>>
        tpu.enqueue_dma source(%dma_start3A_109 : memref<32xi32, #tpu.memory_space<hbm>>) target(%arg15 : memref<32xi32, #tpu.memory_space<vmem>>) target_semaphore(%run_scoped3A : memref<!tpu.dma_semaphore, #tpu.memory_space<semaphore_mem>>)
        %dma_wait3A = arith.constant 99968 : i32
        %dma_wait3A_110 = tpu.memref_slice %arg3[%dma_wait3A] : memref<100001xi32, #tpu.memory_space<hbm>> -> memref<32xi32, #tpu.memory_space<hbm>>
        %dma_wait3A_111 = arith.constant 99968 : i32
        %dma_wait3A_112 = tpu.memref_slice %arg3[%dma_wait3A_111] : memref<100001xi32, #tpu.memory_space<hbm>> -> memref<32xi32, #tpu.memory_space<hbm>>
        tpu.wait_dma2 semaphore(%run_scoped3A : memref<!tpu.dma_semaphore, #tpu.memory_space<semaphore_mem>>) src(%dma_wait3A_112 : memref<32xi32, #tpu.memory_space<hbm>>) dst(%arg15 : memref<32xi32, #tpu.memory_space<vmem>>)
        tpu.yield
      }) : () -> ()
      %get3A_53 = arith.constant 0 : index
      %get3A_54 = tpu.vector_load %arg15[%get3A_53] {strides = array<i32>} : memref<32xi32, #tpu.memory_space<vmem>>, vector<16xi32>,
      %swap3A_55 = arith.constant 5888 : index
      %swap3A_56 = tpu.vector_load %arg10[%swap3A_55] {strides = array<i32>} : memref<6272xi32, #tpu.memory_space<vmem>>, vector<16xi32>,
      tpu.vector_store %arg10[%swap3A_55], %get3A_54 {strides = array<i32>} : memref<6272xi32, #tpu.memory_space<vmem>>, vector<16xi32>,
      %get3A_57 = arith.constant 16 : index
      %get3A_58 = tpu.vector_load %arg15[%get3A_57] {strides = array<i32>} : memref<32xi32, #tpu.memory_space<vmem>>, vector<16xi32>,
      %swap3A_59 = arith.constant 5904 : index
      %swap3A_60 = tpu.vector_load %arg10[%swap3A_59] {strides = array<i32>} : memref<6272xi32, #tpu.memory_space<vmem>>, vector<16xi32>,
      tpu.vector_store %arg10[%swap3A_59], %get3A_58 {strides = array<i32>} : memref<6272xi32, #tpu.memory_space<vmem>>, vector<16xi32>,
      %broadcast_in_dim3A = arith.constant 50000 : i32
      %broadcast_in_dim3A_61 = vector.broadcast %broadcast_in_dim3A : i32 to vector<16xi32>
      %swap3A_62 = arith.constant 5920 : index
      %swap3A_63 = tpu.vector_load %arg10[%swap3A_62] {strides = array<i32>} : memref<6272xi32, #tpu.memory_space<vmem>>, vector<16xi32>,
      tpu.vector_store %arg10[%swap3A_62], %broadcast_in_dim3A_61 {strides = array<i32>} : memref<6272xi32, #tpu.memory_space<vmem>>, vector<16xi32>,
      %swap3A_64 = arith.constant 5936 : index
      %swap3A_65 = tpu.vector_load %arg10[%swap3A_64] {strides = array<i32>} : memref<6272xi32, #tpu.memory_space<vmem>>, vector<16xi32>,
      tpu.vector_store %arg10[%swap3A_64], %broadcast_in_dim3A_61 {strides = array<i32>} : memref<6272xi32, #tpu.memory_space<vmem>>, vector<16xi32>,
      %swap3A_66 = arith.constant 5952 : index
      %swap3A_67 = tpu.vector_load %arg10[%swap3A_66] {strides = array<i32>} : memref<6272xi32, #tpu.memory_space<vmem>>, vector<16xi32>,
      tpu.vector_store %arg10[%swap3A_66], %broadcast_in_dim3A_61 {strides = array<i32>} : memref<6272xi32, #tpu.memory_space<vmem>>, vector<16xi32>,
      %swap3A_68 = arith.constant 5968 : index
      %swap3A_69 = tpu.vector_load %arg10[%swap3A_68] {strides = array<i32>} : memref<6272xi32, #tpu.memory_space<vmem>>, vector<16xi32>,
      tpu.vector_store %arg10[%swap3A_68], %broadcast_in_dim3A_61 {strides = array<i32>} : memref<6272xi32, #tpu.memory_space<vmem>>, vector<16xi32>,
      %swap3A_70 = arith.constant 5984 : index
      %swap3A_71 = tpu.vector_load %arg10[%swap3A_70] {strides = array<i32>} : memref<6272xi32, #tpu.memory_space<vmem>>, vector<16xi32>,
      tpu.vector_store %arg10[%swap3A_70], %broadcast_in_dim3A_61 {strides = array<i32>} : memref<6272xi32, #tpu.memory_space<vmem>>, vector<16xi32>,
      %swap3A_72 = arith.constant 6000 : index
      %swap3A_73 = tpu.vector_load %arg10[%swap3A_72] {strides = array<i32>} : memref<6272xi32, #tpu.memory_space<vmem>>, vector<16xi32>,
      tpu.vector_store %arg10[%swap3A_72], %broadcast_in_dim3A_61 {strides = array<i32>} : memref<6272xi32, #tpu.memory_space<vmem>>, vector<16xi32>,
      %swap3A_74 = arith.constant 6016 : index
      %swap3A_75 = tpu.vector_load %arg10[%swap3A_74] {strides = array<i32>} : memref<6272xi32, #tpu.memory_space<vmem>>, vector<16xi32>,
      tpu.vector_store %arg10[%swap3A_74], %broadcast_in_dim3A_61 {strides = array<i32>} : memref<6272xi32, #tpu.memory_space<vmem>>, vector<16xi32>,
      %swap3A_76 = arith.constant 6032 : index
      %swap3A_77 = tpu.vector_load %arg10[%swap3A_76] {strides = array<i32>} : memref<6272xi32, #tpu.memory_space<vmem>>, vector<16xi32>,
      tpu.vector_store %arg10[%swap3A_76], %broadcast_in_dim3A_61 {strides = array<i32>} : memref<6272xi32, #tpu.memory_space<vmem>>, vector<16xi32>,
      %swap3A_78 = arith.constant 6048 : index
      %swap3A_79 = tpu.vector_load %arg10[%swap3A_78] {strides = array<i32>} : memref<6272xi32, #tpu.memory_space<vmem>>, vector<16xi32>,
      tpu.vector_store %arg10[%swap3A_78], %broadcast_in_dim3A_61 {strides = array<i32>} : memref<6272xi32, #tpu.memory_space<vmem>>, vector<16xi32>,
      %swap3A_80 = arith.constant 6064 : index
      %swap3A_81 = tpu.vector_load %arg10[%swap3A_80] {strides = array<i32>} : memref<6272xi32, #tpu.memory_space<vmem>>, vector<16xi32>,
      tpu.vector_store %arg10[%swap3A_80], %broadcast_in_dim3A_61 {strides = array<i32>} : memref<6272xi32, #tpu.memory_space<vmem>>, vector<16xi32>,
      %swap3A_82 = arith.constant 6080 : index
      %swap3A_83 = tpu.vector_load %arg10[%swap3A_82] {strides = array<i32>} : memref<6272xi32, #tpu.memory_space<vmem>>, vector<16xi32>,
      tpu.vector_store %arg10[%swap3A_82], %broadcast_in_dim3A_61 {strides = array<i32>} : memref<6272xi32, #tpu.memory_space<vmem>>, vector<16xi32>,
      %swap3A_84 = arith.constant 6096 : index
      %swap3A_85 = tpu.vector_load %arg10[%swap3A_84] {strides = array<i32>} : memref<6272xi32, #tpu.memory_space<vmem>>, vector<16xi32>,
      tpu.vector_store %arg10[%swap3A_84], %broadcast_in_dim3A_61 {strides = array<i32>} : memref<6272xi32, #tpu.memory_space<vmem>>, vector<16xi32>,
      %swap3A_86 = arith.constant 6112 : index
      %swap3A_87 = tpu.vector_load %arg10[%swap3A_86] {strides = array<i32>} : memref<6272xi32, #tpu.memory_space<vmem>>, vector<16xi32>,
      tpu.vector_store %arg10[%swap3A_86], %broadcast_in_dim3A_61 {strides = array<i32>} : memref<6272xi32, #tpu.memory_space<vmem>>, vector<16xi32>,
      %swap3A_88 = arith.constant 6128 : index
      %swap3A_89 = tpu.vector_load %arg10[%swap3A_88] {strides = array<i32>} : memref<6272xi32, #tpu.memory_space<vmem>>, vector<16xi32>,
      tpu.vector_store %arg10[%swap3A_88], %broadcast_in_dim3A_61 {strides = array<i32>} : memref<6272xi32, #tpu.memory_space<vmem>>, vector<16xi32>,
      %swap3A_90 = arith.constant 6144 : index
      %swap3A_91 = tpu.vector_load %arg10[%swap3A_90] {strides = array<i32>} : memref<6272xi32, #tpu.memory_space<vmem>>, vector<16xi32>,
      tpu.vector_store %arg10[%swap3A_90], %broadcast_in_dim3A_61 {strides = array<i32>} : memref<6272xi32, #tpu.memory_space<vmem>>, vector<16xi32>,
      %swap3A_92 = arith.constant 6160 : index
      %swap3A_93 = tpu.vector_load %arg10[%swap3A_92] {strides = array<i32>} : memref<6272xi32, #tpu.memory_space<vmem>>, vector<16xi32>,
      tpu.vector_store %arg10[%swap3A_92], %broadcast_in_dim3A_61 {strides = array<i32>} : memref<6272xi32, #tpu.memory_space<vmem>>, vector<16xi32>,
      %swap3A_94 = arith.constant 6176 : index
      %swap3A_95 = tpu.vector_load %arg10[%swap3A_94] {strides = array<i32>} : memref<6272xi32, #tpu.memory_space<vmem>>, vector<16xi32>,
      tpu.vector_store %arg10[%swap3A_94], %broadcast_in_dim3A_61 {strides = array<i32>} : memref<6272xi32, #tpu.memory_space<vmem>>, vector<16xi32>,
      %swap3A_96 = arith.constant 6192 : index
      %swap3A_97 = tpu.vector_load %arg10[%swap3A_96] {strides = array<i32>} : memref<6272xi32, #tpu.memory_space<vmem>>, vector<16xi32>,
      tpu.vector_store %arg10[%swap3A_96], %broadcast_in_dim3A_61 {strides = array<i32>} : memref<6272xi32, #tpu.memory_space<vmem>>, vector<16xi32>,
      %swap3A_98 = arith.constant 6208 : index
      %swap3A_99 = tpu.vector_load %arg10[%swap3A_98] {strides = array<i32>} : memref<6272xi32, #tpu.memory_space<vmem>>, vector<16xi32>,
      tpu.vector_store %arg10[%swap3A_98], %broadcast_in_dim3A_61 {strides = array<i32>} : memref<6272xi32, #tpu.memory_space<vmem>>, vector<16xi32>,
      %swap3A_100 = arith.constant 6224 : index
      %swap3A_101 = tpu.vector_load %arg10[%swap3A_100] {strides = array<i32>} : memref<6272xi32, #tpu.memory_space<vmem>>, vector<16xi32>,
      tpu.vector_store %arg10[%swap3A_100], %broadcast_in_dim3A_61 {strides = array<i32>} : memref<6272xi32, #tpu.memory_space<vmem>>, vector<16xi32>,
      %swap3A_102 = arith.constant 6240 : index
      %swap3A_103 = tpu.vector_load %arg10[%swap3A_102] {strides = array<i32>} : memref<6272xi32, #tpu.memory_space<vmem>>, vector<16xi32>,
      tpu.vector_store %arg10[%swap3A_102], %broadcast_in_dim3A_61 {strides = array<i32>} : memref<6272xi32, #tpu.memory_space<vmem>>, vector<16xi32>,
      %swap3A_104 = arith.constant 6256 : index
      %swap3A_105 = tpu.vector_load %arg10[%swap3A_104] {strides = array<i32>} : memref<6272xi32, #tpu.memory_space<vmem>>, vector<16xi32>,
      tpu.vector_store %arg10[%swap3A_104], %broadcast_in_dim3A_61 {strides = array<i32>} : memref<6272xi32, #tpu.memory_space<vmem>>, vector<16xi32>,
    } else {
    }
    %scan3A = arith.constant 0 : i32
    %scan3A_38 = arith.constant 0 : i32
    %scan3A_39 = arith.constant 392 : i32
    %scan3A_40 = arith.addi %scan3A_38, %scan3A_39 : i32
    %scan3A_41 = arith.constant 1 : i32
    scf.for %scan3A_53 = %scan3A_38 to %scan3A_40 step %scan3A_41  : i32 {
      %mul3A_54 = arith.constant 16 : i32
      %mul3A_55 = arith.muli %scan3A_53, %mul3A_54 : i32
      %get3A_56 = arith.index_cast %mul3A_55 : i32 to index
      %get3A_57 = tpu.vector_load %arg10[%get3A_56] {strides = array<i32>} : memref<6272xi32, #tpu.memory_space<vmem>>, vector<16xi32>,
      %gather3A = tpu.vector_load_idx %arg7[%get3A_57] : memref<100352xf32, #tpu.memory_space<vmem>>[vector<16xi32>], vector<16xf32>,
      %ge3A = arith.constant 50000 : i32
      %ge3A_58 = vector.broadcast %ge3A : i32 to vector<16xi32>
      %ge3A_59 = arith.cmpi sge, %get3A_57, %ge3A_58 : vector<16xi32>
      %jit3A = arith.constant 0.000000e+00 : f32
      %broadcast_in_dim3A = vector.broadcast %jit3A : f32 to vector<16xf32>
      %select_n3A = arith.select %ge3A_59, %broadcast_in_dim3A, %gather3A : vector<16xi1>, vector<16xf32>
      %mul3A_60 = arith.constant 16 : i32
      %mul3A_61 = arith.muli %scan3A_53, %mul3A_60 : i32
      %add3A_62 = arith.constant 50048 : i32
      %add3A_63 = arith.addi %add3A_62, %mul3A_61 : i32
      %swap3A_64 = arith.index_cast %add3A_63 : i32 to index
      %swap3A_65 = tpu.vector_load %arg7[%swap3A_64] {strides = array<i32>} : memref<100352xf32, #tpu.memory_space<vmem>>, vector<16xf32>,
      tpu.vector_store %arg7[%swap3A_64], %select_n3A {strides = array<i32>} : memref<100352xf32, #tpu.memory_space<vmem>>, vector<16xf32>,
    }
    %scan3A_42 = arith.constant 392 : i32
    %mul3A_43 = arith.constant 6272 : i32
    %mul3A_44 = arith.muli %arg1, %mul3A_43 : i32
    "tpu.region"() ({
      %run_scoped3A = tpu.sem_alloc : memref<!tpu.dma_semaphore, #tpu.memory_space<semaphore_mem>>
      %dma_start3A_53 = arith.constant 50048 : i32
      %dma_start3A_54 = tpu.memref_slice %arg7[%dma_start3A_53] : memref<100352xf32, #tpu.memory_space<vmem>> -> memref<6272xf32, #tpu.memory_space<vmem>>
      %dma_start3A_55 = tpu.memref_slice %arg16[%mul3A_44] : memref<100352xf32, #tpu.memory_space<vmem_shared>> -> memref<6272xf32, #tpu.memory_space<vmem_shared>>
      %dma_start3A_56 = tpu.memref_slice %arg16[%mul3A_44] : memref<100352xf32, #tpu.memory_space<vmem_shared>> -> memref<6272xf32, #tpu.memory_space<vmem_shared>>
      %dma_start3A_57 = arith.constant 50048 : i32
      %dma_start3A_58 = tpu.memref_slice %arg7[%dma_start3A_57] : memref<100352xf32, #tpu.memory_space<vmem>> -> memref<6272xf32, #tpu.memory_space<vmem>>
      tpu.enqueue_dma source(%dma_start3A_58 : memref<6272xf32, #tpu.memory_space<vmem>>) target(%dma_start3A_56 : memref<6272xf32, #tpu.memory_space<vmem_shared>>) target_semaphore(%run_scoped3A : memref<!tpu.dma_semaphore, #tpu.memory_space<semaphore_mem>>)
      %dma_wait3A = arith.constant 50048 : i32
      %dma_wait3A_59 = tpu.memref_slice %arg7[%dma_wait3A] : memref<100352xf32, #tpu.memory_space<vmem>> -> memref<6272xf32, #tpu.memory_space<vmem>>
      %dma_wait3A_60 = tpu.memref_slice %arg16[%mul3A_44] : memref<100352xf32, #tpu.memory_space<vmem_shared>> -> memref<6272xf32, #tpu.memory_space<vmem_shared>>
      %dma_wait3A_61 = tpu.memref_slice %arg16[%mul3A_44] : memref<100352xf32, #tpu.memory_space<vmem_shared>> -> memref<6272xf32, #tpu.memory_space<vmem_shared>>
      %dma_wait3A_62 = arith.constant 50048 : i32
      %dma_wait3A_63 = tpu.memref_slice %arg7[%dma_wait3A_62] : memref<100352xf32, #tpu.memory_space<vmem>> -> memref<6272xf32, #tpu.memory_space<vmem>>
      tpu.wait_dma2 semaphore(%run_scoped3A : memref<!tpu.dma_semaphore, #tpu.memory_space<semaphore_mem>>) src(%dma_wait3A_63 : memref<6272xf32, #tpu.memory_space<vmem>>) dst(%dma_wait3A_61 : memref<6272xf32, #tpu.memory_space<vmem_shared>>)
      tpu.yield
    }) : () -> ()
    %barrier3A = arith.constant 0 : index
    tpu.barrier barrier_id(%barrier3A)
    "tpu.region"() ({
      %run_scoped3A = tpu.sem_alloc : memref<!tpu.dma_semaphore, #tpu.memory_space<semaphore_mem>>
      tpu.enqueue_dma source(%arg16 : memref<100352xf32, #tpu.memory_space<vmem_shared>>) target(%arg7 : memref<100352xf32, #tpu.memory_space<vmem>>) target_semaphore(%run_scoped3A : memref<!tpu.dma_semaphore, #tpu.memory_space<semaphore_mem>>)
      tpu.wait_dma2 semaphore(%run_scoped3A : memref<!tpu.dma_semaphore, #tpu.memory_space<semaphore_mem>>) src(%arg16 : memref<100352xf32, #tpu.memory_space<vmem_shared>>) dst(%arg7 : memref<100352xf32, #tpu.memory_space<vmem>>)
      tpu.yield
    }) : () -> ()
    "tpu.region"() ({
      %run_scoped3A = tpu.sem_alloc : memref<!tpu.dma_semaphore, #tpu.memory_space<semaphore_mem>>
      tpu.enqueue_dma source(%arg5 : memref<16xf32, #tpu.memory_space<hbm>>) target(%arg12 : memref<16xf32, #tpu.memory_space<vmem>>) target_semaphore(%run_scoped3A : memref<!tpu.dma_semaphore, #tpu.memory_space<semaphore_mem>>)
      tpu.wait_dma2 semaphore(%run_scoped3A : memref<!tpu.dma_semaphore, #tpu.memory_space<semaphore_mem>>) src(%arg5 : memref<16xf32, #tpu.memory_space<hbm>>) dst(%arg12 : memref<16xf32, #tpu.memory_space<vmem>>)
      tpu.yield
    }) : () -> ()
    %get3A_45 = arith.constant 0 : index
    %get3A_46 = tpu.vector_load %arg12[%get3A_45] {strides = array<i32>} : memref<16xf32, #tpu.memory_space<vmem>>, vector<16xf32>,
    %scan3A_47 = arith.constant 0 : i32
    %scan3A_48 = arith.constant 0 : i32
    %scan3A_49 = arith.constant 8 : i32
    %scan3A_50 = arith.addi %scan3A_48, %scan3A_49 : i32
    %scan3A_51 = arith.constant 1 : i32
    scf.for %scan3A_53 = %scan3A_48 to %scan3A_50 step %scan3A_51  : i32 {
      %mul3A_54 = arith.constant 2 : i32
      %mul3A_55 = arith.muli %scan3A_53, %mul3A_54 : i32
      %add3A_56 = arith.constant 0 : i32
      %add3A_57 = arith.addi %mul3A_55, %add3A_56 : i32
      %mul3A_58 = arith.constant 32 : i32
      %mul3A_59 = arith.muli %add3A_57, %mul3A_58 : i32
      %add3A_60 = arith.addi %mul3A_2, %mul3A_59 : i32
      %dma_wait3A = arith.constant 0 : i32
      %dma_wait3A_61 = tpu.memref_slice %arg2[%add3A_60, %dma_wait3A] : memref<16384x200xi32, #tpu.memory_space<hbm>> -> memref<32x200xi32, #tpu.memory_space<hbm>>
      %dma_wait3A_62 = arith.constant 0 : i32
      %dma_wait3A_63 = tpu.memref_slice %arg2[%add3A_60, %dma_wait3A_62] : memref<16384x200xi32, #tpu.memory_space<hbm>> -> memref<32x200xi32, #tpu.memory_space<hbm>>
      tpu.wait_dma2 semaphore(%arg17 : memref<!tpu.dma_semaphore, #tpu.memory_space<semaphore_mem>>) src(%dma_wait3A_63 : memref<32x200xi32, #tpu.memory_space<hbm>>) dst(%arg8 : memref<32x200xi32, #tpu.memory_space<vmem>>)
      %scan3A_64 = arith.constant 0 : i32
      %scan3A_65 = arith.constant 0 : i32
      %scan3A_66 = arith.constant 2 : i32
      %scan3A_67 = arith.addi %scan3A_65, %scan3A_66 : i32
      %scan3A_68 = arith.constant 1 : i32
      scf.for %scan3A_97 = %scan3A_65 to %scan3A_67 step %scan3A_68  : i32 {
        %parallel_loop3A = arith.constant 0 : i32
        %parallel_loop3A_98 = arith.constant 16 : i32
        %parallel_loop3A_99 = arith.constant 1 : i32
        scf.for %parallel_loop3A_231 = %parallel_loop3A to %parallel_loop3A_98 step %parallel_loop3A_99  : i32 {
          %parallel_loop3A_232 = arith.constant 16 : i32
          %parallel_loop3A_233 = arith.muli %scan3A_97, %parallel_loop3A_232 : i32
          %parallel_loop3A_234 = arith.addi %parallel_loop3A_233, %parallel_loop3A_231 : i32
          %parallel_loop3A_235 = arith.index_cast %parallel_loop3A_234 : i32 to index
          %parallel_loop3A_236 = arith.constant 0 : index
          %parallel_loop3A_237 = tpu.vector_load %arg8[%parallel_loop3A_235, %parallel_loop3A_236] {strides = array<i32>} : memref<32x200xi32, #tpu.memory_space<vmem>>, vector<16xi32>,
          %parallel_loop3A_238 = tpu.vector_load_idx %arg7[%parallel_loop3A_237] : memref<100352xf32, #tpu.memory_space<vmem>>[vector<16xi32>], vector<16xf32>,
          %parallel_loop3A_239 = arith.index_cast %parallel_loop3A_234 : i32 to index
          %parallel_loop3A_240 = arith.constant 16 : index
          %parallel_loop3A_241 = tpu.vector_load %arg8[%parallel_loop3A_239, %parallel_loop3A_240] {strides = array<i32>} : memref<32x200xi32, #tpu.memory_space<vmem>>, vector<16xi32>,
          %parallel_loop3A_242 = tpu.vector_load_idx %arg7[%parallel_loop3A_241] : memref<100352xf32, #tpu.memory_space<vmem>>[vector<16xi32>], vector<16xf32>,
          %parallel_loop3A_243 = arith.addf %parallel_loop3A_238, %parallel_loop3A_242 : vector<16xf32>
          %parallel_loop3A_244 = arith.index_cast %parallel_loop3A_234 : i32 to index
          %parallel_loop3A_245 = arith.constant 32 : index
          %parallel_loop3A_246 = tpu.vector_load %arg8[%parallel_loop3A_244, %parallel_loop3A_245] {strides = array<i32>} : memref<32x200xi32, #tpu.memory_space<vmem>>, vector<16xi32>,
          %parallel_loop3A_247 = tpu.vector_load_idx %arg7[%parallel_loop3A_246] : memref<100352xf32, #tpu.memory_space<vmem>>[vector<16xi32>], vector<16xf32>,
          %parallel_loop3A_248 = arith.addf %parallel_loop3A_243, %parallel_loop3A_247 : vector<16xf32>
          %parallel_loop3A_249 = arith.index_cast %parallel_loop3A_234 : i32 to index
          %parallel_loop3A_250 = arith.constant 48 : index
          %parallel_loop3A_251 = tpu.vector_load %arg8[%parallel_loop3A_249, %parallel_loop3A_250] {strides = array<i32>} : memref<32x200xi32, #tpu.memory_space<vmem>>, vector<16xi32>,
          %parallel_loop3A_252 = tpu.vector_load_idx %arg7[%parallel_loop3A_251] : memref<100352xf32, #tpu.memory_space<vmem>>[vector<16xi32>], vector<16xf32>,
          %parallel_loop3A_253 = arith.addf %parallel_loop3A_248, %parallel_loop3A_252 : vector<16xf32>
          %parallel_loop3A_254 = arith.index_cast %parallel_loop3A_234 : i32 to index
          %parallel_loop3A_255 = arith.constant 64 : index
          %parallel_loop3A_256 = tpu.vector_load %arg8[%parallel_loop3A_254, %parallel_loop3A_255] {strides = array<i32>} : memref<32x200xi32, #tpu.memory_space<vmem>>, vector<16xi32>,
          %parallel_loop3A_257 = tpu.vector_load_idx %arg7[%parallel_loop3A_256] : memref<100352xf32, #tpu.memory_space<vmem>>[vector<16xi32>], vector<16xf32>,
          %parallel_loop3A_258 = arith.addf %parallel_loop3A_253, %parallel_loop3A_257 : vector<16xf32>
          %parallel_loop3A_259 = arith.index_cast %parallel_loop3A_234 : i32 to index
          %parallel_loop3A_260 = arith.constant 80 : index
          %parallel_loop3A_261 = tpu.vector_load %arg8[%parallel_loop3A_259, %parallel_loop3A_260] {strides = array<i32>} : memref<32x200xi32, #tpu.memory_space<vmem>>, vector<16xi32>,
          %parallel_loop3A_262 = tpu.vector_load_idx %arg7[%parallel_loop3A_261] : memref<100352xf32, #tpu.memory_space<vmem>>[vector<16xi32>], vector<16xf32>,
          %parallel_loop3A_263 = arith.addf %parallel_loop3A_258, %parallel_loop3A_262 : vector<16xf32>
          %parallel_loop3A_264 = arith.index_cast %parallel_loop3A_234 : i32 to index
          %parallel_loop3A_265 = arith.constant 96 : index
          %parallel_loop3A_266 = tpu.vector_load %arg8[%parallel_loop3A_264, %parallel_loop3A_265] {strides = array<i32>} : memref<32x200xi32, #tpu.memory_space<vmem>>, vector<16xi32>,
          %parallel_loop3A_267 = tpu.vector_load_idx %arg7[%parallel_loop3A_266] : memref<100352xf32, #tpu.memory_space<vmem>>[vector<16xi32>], vector<16xf32>,
          %parallel_loop3A_268 = arith.addf %parallel_loop3A_263, %parallel_loop3A_267 : vector<16xf32>
          %parallel_loop3A_269 = arith.index_cast %parallel_loop3A_234 : i32 to index
          %parallel_loop3A_270 = arith.constant 112 : index
          %parallel_loop3A_271 = tpu.vector_load %arg8[%parallel_loop3A_269, %parallel_loop3A_270] {strides = array<i32>} : memref<32x200xi32, #tpu.memory_space<vmem>>, vector<16xi32>,
          %parallel_loop3A_272 = tpu.vector_load_idx %arg7[%parallel_loop3A_271] : memref<100352xf32, #tpu.memory_space<vmem>>[vector<16xi32>], vector<16xf32>,
          %parallel_loop3A_273 = arith.addf %parallel_loop3A_268, %parallel_loop3A_272 : vector<16xf32>
          %parallel_loop3A_274 = arith.index_cast %parallel_loop3A_234 : i32 to index
          %parallel_loop3A_275 = arith.constant 128 : index
          %parallel_loop3A_276 = tpu.vector_load %arg8[%parallel_loop3A_274, %parallel_loop3A_275] {strides = array<i32>} : memref<32x200xi32, #tpu.memory_space<vmem>>, vector<16xi32>,
          %parallel_loop3A_277 = tpu.vector_load_idx %arg7[%parallel_loop3A_276] : memref<100352xf32, #tpu.memory_space<vmem>>[vector<16xi32>], vector<16xf32>,
          %parallel_loop3A_278 = arith.addf %parallel_loop3A_273, %parallel_loop3A_277 : vector<16xf32>
          %parallel_loop3A_279 = arith.index_cast %parallel_loop3A_234 : i32 to index
          %parallel_loop3A_280 = arith.constant 144 : index
          %parallel_loop3A_281 = tpu.vector_load %arg8[%parallel_loop3A_279, %parallel_loop3A_280] {strides = array<i32>} : memref<32x200xi32, #tpu.memory_space<vmem>>, vector<16xi32>,
          %parallel_loop3A_282 = tpu.vector_load_idx %arg7[%parallel_loop3A_281] : memref<100352xf32, #tpu.memory_space<vmem>>[vector<16xi32>], vector<16xf32>,
          %parallel_loop3A_283 = arith.addf %parallel_loop3A_278, %parallel_loop3A_282 : vector<16xf32>
          %parallel_loop3A_284 = arith.index_cast %parallel_loop3A_234 : i32 to index
          %parallel_loop3A_285 = arith.constant 160 : index
          %parallel_loop3A_286 = tpu.vector_load %arg8[%parallel_loop3A_284, %parallel_loop3A_285] {strides = array<i32>} : memref<32x200xi32, #tpu.memory_space<vmem>>, vector<16xi32>,
          %parallel_loop3A_287 = tpu.vector_load_idx %arg7[%parallel_loop3A_286] : memref<100352xf32, #tpu.memory_space<vmem>>[vector<16xi32>], vector<16xf32>,
          %parallel_loop3A_288 = arith.addf %parallel_loop3A_283, %parallel_loop3A_287 : vector<16xf32>
          %parallel_loop3A_289 = arith.index_cast %parallel_loop3A_234 : i32 to index
          %parallel_loop3A_290 = arith.constant 176 : index
          %parallel_loop3A_291 = tpu.vector_load %arg8[%parallel_loop3A_289, %parallel_loop3A_290] {strides = array<i32>} : memref<32x200xi32, #tpu.memory_space<vmem>>, vector<16xi32>,
          %parallel_loop3A_292 = tpu.vector_load_idx %arg7[%parallel_loop3A_291] : memref<100352xf32, #tpu.memory_space<vmem>>[vector<16xi32>], vector<16xf32>,
          %parallel_loop3A_293 = arith.addf %parallel_loop3A_288, %parallel_loop3A_292 : vector<16xf32>
          %parallel_loop3A_294 = arith.index_cast %parallel_loop3A_234 : i32 to index
          %parallel_loop3A_295 = arith.constant 184 : index
          %parallel_loop3A_296 = tpu.vector_load %arg8[%parallel_loop3A_294, %parallel_loop3A_295] {strides = array<i32>} : memref<32x200xi32, #tpu.memory_space<vmem>>, vector<16xi32>,
          %parallel_loop3A_297 = arith.constant 8 : i32
          %parallel_loop3A_298 = vector.broadcast %parallel_loop3A_297 : i32 to vector<16xi32>
          %parallel_loop3A_299 = arith.cmpi sge, %iota3A, %parallel_loop3A_298 : vector<16xi32>
          %parallel_loop3A_300 = arith.constant 100001 : i32
          %parallel_loop3A_301 = vector.broadcast %parallel_loop3A_300 : i32 to vector<16xi32>
          %parallel_loop3A_302 = arith.select %parallel_loop3A_299, %parallel_loop3A_296, %parallel_loop3A_301 : vector<16xi1>, vector<16xi32>
          %parallel_loop3A_303 = tpu.vector_load_idx %arg7[%parallel_loop3A_302] : memref<100352xf32, #tpu.memory_space<vmem>>[vector<16xi32>], vector<16xf32>,
          %parallel_loop3A_304 = arith.addf %parallel_loop3A_293, %parallel_loop3A_303 : vector<16xf32>
          %parallel_loop3A_305 = arith.constant 16 : i32
          %parallel_loop3A_306 = arith.muli %parallel_loop3A_231, %parallel_loop3A_305 : i32
          %parallel_loop3A_307 = arith.index_cast %parallel_loop3A_306 : i32 to index
          %parallel_loop3A_308 = tpu.vector_load %arg13[%parallel_loop3A_307] {strides = array<i32>} : memref<256xf32, #tpu.memory_space<vmem>>, vector<16xf32>,
          tpu.vector_store %arg13[%parallel_loop3A_307], %parallel_loop3A_304 {strides = array<i32>} : memref<256xf32, #tpu.memory_space<vmem>>, vector<16xf32>,
        } {sc.loop_unroll_factor = 2 : i64, sc.parallel_access}
        %mul3A_100 = arith.constant 16 : i32
        %mul3A_101 = vector.broadcast %mul3A_100 : i32 to vector<16xi32>
        %mul3A_102 = arith.muli %iota3A, %mul3A_101 : vector<16xi32>
        %gather3A = tpu.vector_load_idx %arg13[%mul3A_102] : memref<256xf32, #tpu.memory_space<vmem>>[vector<16xi32>], vector<16xf32>,
        %mul3A_103 = arith.constant 16 : i32
        %mul3A_104 = vector.broadcast %mul3A_103 : i32 to vector<16xi32>
        %mul3A_105 = arith.muli %iota3A, %mul3A_104 : vector<16xi32>
        %add3A_106 = arith.constant 1 : i32
        %add3A_107 = vector.broadcast %add3A_106 : i32 to vector<16xi32>
        %add3A_108 = arith.addi %mul3A_105, %add3A_107 : vector<16xi32>
        %gather3A_109 = tpu.vector_load_idx %arg13[%add3A_108] : memref<256xf32, #tpu.memory_space<vmem>>[vector<16xi32>], vector<16xf32>,
        %add3A_110 = arith.addf %gather3A, %gather3A_109 : vector<16xf32>
        %mul3A_111 = arith.constant 16 : i32
        %mul3A_112 = vector.broadcast %mul3A_111 : i32 to vector<16xi32>
        %mul3A_113 = arith.muli %iota3A, %mul3A_112 : vector<16xi32>
        %add3A_114 = arith.constant 2 : i32
        %add3A_115 = vector.broadcast %add3A_114 : i32 to vector<16xi32>
        %add3A_116 = arith.addi %mul3A_113, %add3A_115 : vector<16xi32>
        %gather3A_117 = tpu.vector_load_idx %arg13[%add3A_116] : memref<256xf32, #tpu.memory_space<vmem>>[vector<16xi32>], vector<16xf32>,
        %add3A_118 = arith.addf %add3A_110, %gather3A_117 : vector<16xf32>
        %mul3A_119 = arith.constant 16 : i32
        %mul3A_120 = vector.broadcast %mul3A_119 : i32 to vector<16xi32>
        %mul3A_121 = arith.muli %iota3A, %mul3A_120 : vector<16xi32>
        %add3A_122 = arith.constant 3 : i32
        %add3A_123 = vector.broadcast %add3A_122 : i32 to vector<16xi32>
        %add3A_124 = arith.addi %mul3A_121, %add3A_123 : vector<16xi32>
        %gather3A_125 = tpu.vector_load_idx %arg13[%add3A_124] : memref<256xf32, #tpu.memory_space<vmem>>[vector<16xi32>], vector<16xf32>,
        %add3A_126 = arith.addf %add3A_118, %gather3A_125 : vector<16xf32>
        %mul3A_127 = arith.constant 16 : i32
        %mul3A_128 = vector.broadcast %mul3A_127 : i32 to vector<16xi32>
        %mul3A_129 = arith.muli %iota3A, %mul3A_128 : vector<16xi32>
        %add3A_130 = arith.constant 4 : i32
        %add3A_131 = vector.broadcast %add3A_130 : i32 to vector<16xi32>
        %add3A_132 = arith.addi %mul3A_129, %add3A_131 : vector<16xi32>
        %gather3A_133 = tpu.vector_load_idx %arg13[%add3A_132] : memref<256xf32, #tpu.memory_space<vmem>>[vector<16xi32>], vector<16xf32>,
        %add3A_134 = arith.addf %add3A_126, %gather3A_133 : vector<16xf32>
        %mul3A_135 = arith.constant 16 : i32
        %mul3A_136 = vector.broadcast %mul3A_135 : i32 to vector<16xi32>
        %mul3A_137 = arith.muli %iota3A, %mul3A_136 : vector<16xi32>
        %add3A_138 = arith.constant 5 : i32
        %add3A_139 = vector.broadcast %add3A_138 : i32 to vector<16xi32>
        %add3A_140 = arith.addi %mul3A_137, %add3A_139 : vector<16xi32>
        %gather3A_141 = tpu.vector_load_idx %arg13[%add3A_140] : memref<256xf32, #tpu.memory_space<vmem>>[vector<16xi32>], vector<16xf32>,
        %add3A_142 = arith.addf %add3A_134, %gather3A_141 : vector<16xf32>
        %mul3A_143 = arith.constant 16 : i32
        %mul3A_144 = vector.broadcast %mul3A_143 : i32 to vector<16xi32>
        %mul3A_145 = arith.muli %iota3A, %mul3A_144 : vector<16xi32>
        %add3A_146 = arith.constant 6 : i32
        %add3A_147 = vector.broadcast %add3A_146 : i32 to vector<16xi32>
        %add3A_148 = arith.addi %mul3A_145, %add3A_147 : vector<16xi32>
        %gather3A_149 = tpu.vector_load_idx %arg13[%add3A_148] : memref<256xf32, #tpu.memory_space<vmem>>[vector<16xi32>], vector<16xf32>,
        %add3A_150 = arith.addf %add3A_142, %gather3A_149 : vector<16xf32>
        %mul3A_151 = arith.constant 16 : i32
        %mul3A_152 = vector.broadcast %mul3A_151 : i32 to vector<16xi32>
        %mul3A_153 = arith.muli %iota3A, %mul3A_152 : vector<16xi32>
        %add3A_154 = arith.constant 7 : i32
        %add3A_155 = vector.broadcast %add3A_154 : i32 to vector<16xi32>
        %add3A_156 = arith.addi %mul3A_153, %add3A_155 : vector<16xi32>
        %gather3A_157 = tpu.vector_load_idx %arg13[%add3A_156] : memref<256xf32, #tpu.memory_space<vmem>>[vector<16xi32>], vector<16xf32>,
        %add3A_158 = arith.addf %add3A_150, %gather3A_157 : vector<16xf32>
        %mul3A_159 = arith.constant 16 : i32
        %mul3A_160 = vector.broadcast %mul3A_159 : i32 to vector<16xi32>
        %mul3A_161 = arith.muli %iota3A, %mul3A_160 : vector<16xi32>
        %add3A_162 = arith.constant 8 : i32
        %add3A_163 = vector.broadcast %add3A_162 : i32 to vector<16xi32>
        %add3A_164 = arith.addi %mul3A_161, %add3A_163 : vector<16xi32>
        %gather3A_165 = tpu.vector_load_idx %arg13[%add3A_164] : memref<256xf32, #tpu.memory_space<vmem>>[vector<16xi32>], vector<16xf32>,
        %add3A_166 = arith.addf %add3A_158, %gather3A_165 : vector<16xf32>
        %mul3A_167 = arith.constant 16 : i32
        %mul3A_168 = vector.broadcast %mul3A_167 : i32 to vector<16xi32>
        %mul3A_169 = arith.muli %iota3A, %mul3A_168 : vector<16xi32>
        %add3A_170 = arith.constant 9 : i32
        %add3A_171 = vector.broadcast %add3A_170 : i32 to vector<16xi32>
        %add3A_172 = arith.addi %mul3A_169, %add3A_171 : vector<16xi32>
        %gather3A_173 = tpu.vector_load_idx %arg13[%add3A_172] : memref<256xf32, #tpu.memory_space<vmem>>[vector<16xi32>], vector<16xf32>,
        %add3A_174 = arith.addf %add3A_166, %gather3A_173 : vector<16xf32>
        %mul3A_175 = arith.constant 16 : i32
        %mul3A_176 = vector.broadcast %mul3A_175 : i32 to vector<16xi32>
        %mul3A_177 = arith.muli %iota3A, %mul3A_176 : vector<16xi32>
        %add3A_178 = arith.constant 10 : i32
        %add3A_179 = vector.broadcast %add3A_178 : i32 to vector<16xi32>
        %add3A_180 = arith.addi %mul3A_177, %add3A_179 : vector<16xi32>
        %gather3A_181 = tpu.vector_load_idx %arg13[%add3A_180] : memref<256xf32, #tpu.memory_space<vmem>>[vector<16xi32>], vector<16xf32>,
        %add3A_182 = arith.addf %add3A_174, %gather3A_181 : vector<16xf32>
        %mul3A_183 = arith.constant 16 : i32
        %mul3A_184 = vector.broadcast %mul3A_183 : i32 to vector<16xi32>
        %mul3A_185 = arith.muli %iota3A, %mul3A_184 : vector<16xi32>
        %add3A_186 = arith.constant 11 : i32
        %add3A_187 = vector.broadcast %add3A_186 : i32 to vector<16xi32>
        %add3A_188 = arith.addi %mul3A_185, %add3A_187 : vector<16xi32>
        %gather3A_189 = tpu.vector_load_idx %arg13[%add3A_188] : memref<256xf32, #tpu.memory_space<vmem>>[vector<16xi32>], vector<16xf32>,
        %add3A_190 = arith.addf %add3A_182, %gather3A_189 : vector<16xf32>
        %mul3A_191 = arith.constant 16 : i32
        %mul3A_192 = vector.broadcast %mul3A_191 : i32 to vector<16xi32>
        %mul3A_193 = arith.muli %iota3A, %mul3A_192 : vector<16xi32>
        %add3A_194 = arith.constant 12 : i32
        %add3A_195 = vector.broadcast %add3A_194 : i32 to vector<16xi32>
        %add3A_196 = arith.addi %mul3A_193, %add3A_195 : vector<16xi32>
        %gather3A_197 = tpu.vector_load_idx %arg13[%add3A_196] : memref<256xf32, #tpu.memory_space<vmem>>[vector<16xi32>], vector<16xf32>,
        %add3A_198 = arith.addf %add3A_190, %gather3A_197 : vector<16xf32>
        %mul3A_199 = arith.constant 16 : i32
        %mul3A_200 = vector.broadcast %mul3A_199 : i32 to vector<16xi32>
        %mul3A_201 = arith.muli %iota3A, %mul3A_200 : vector<16xi32>
        %add3A_202 = arith.constant 13 : i32
        %add3A_203 = vector.broadcast %add3A_202 : i32 to vector<16xi32>
        %add3A_204 = arith.addi %mul3A_201, %add3A_203 : vector<16xi32>
        %gather3A_205 = tpu.vector_load_idx %arg13[%add3A_204] : memref<256xf32, #tpu.memory_space<vmem>>[vector<16xi32>], vector<16xf32>,
        %add3A_206 = arith.addf %add3A_198, %gather3A_205 : vector<16xf32>
        %mul3A_207 = arith.constant 16 : i32
        %mul3A_208 = vector.broadcast %mul3A_207 : i32 to vector<16xi32>
        %mul3A_209 = arith.muli %iota3A, %mul3A_208 : vector<16xi32>
        %add3A_210 = arith.constant 14 : i32
        %add3A_211 = vector.broadcast %add3A_210 : i32 to vector<16xi32>
        %add3A_212 = arith.addi %mul3A_209, %add3A_211 : vector<16xi32>
        %gather3A_213 = tpu.vector_load_idx %arg13[%add3A_212] : memref<256xf32, #tpu.memory_space<vmem>>[vector<16xi32>], vector<16xf32>,
        %add3A_214 = arith.addf %add3A_206, %gather3A_213 : vector<16xf32>
        %mul3A_215 = arith.constant 16 : i32
        %mul3A_216 = vector.broadcast %mul3A_215 : i32 to vector<16xi32>
        %mul3A_217 = arith.muli %iota3A, %mul3A_216 : vector<16xi32>
        %add3A_218 = arith.constant 15 : i32
        %add3A_219 = vector.broadcast %add3A_218 : i32 to vector<16xi32>
        %add3A_220 = arith.addi %mul3A_217, %add3A_219 : vector<16xi32>
        %gather3A_221 = tpu.vector_load_idx %arg13[%add3A_220] : memref<256xf32, #tpu.memory_space<vmem>>[vector<16xi32>], vector<16xf32>,
        %add3A_222 = arith.addf %add3A_214, %gather3A_221 : vector<16xf32>
        %add3A_223 = arith.addf %add3A_222, %get3A_46 : vector<16xf32>
        %mul3A_224 = arith.constant 32 : i32
        %mul3A_225 = arith.muli %add3A_57, %mul3A_224 : i32
        %mul3A_226 = arith.constant 16 : i32
        %mul3A_227 = arith.muli %scan3A_97, %mul3A_226 : i32
        %add3A_228 = arith.addi %mul3A_225, %mul3A_227 : i32
        %swap3A_229 = arith.index_cast %add3A_228 : i32 to index
        %swap3A_230 = tpu.vector_load %arg11[%swap3A_229] {strides = array<i32>} : memref<512xf32, #tpu.memory_space<vmem>>, vector<16xf32>,
        tpu.vector_store %arg11[%swap3A_229], %add3A_223 {strides = array<i32>} : memref<512xf32, #tpu.memory_space<vmem>>, vector<16xf32>,
      }
      %scan3A_69 = arith.constant 2 : i32
      %lt3A_70 = arith.constant 7 : i32
      %lt3A_71 = arith.cmpi slt, %scan3A_53, %lt3A_70 : i32
      %convert_element_type3A_72 = arith.extui %lt3A_71 : i1 to i32
      %cond3A_73 = arith.constant 0 : i32
      %cond3A_74 = arith.cmpi ne, %convert_element_type3A_72, %cond3A_73 : i32
      scf.if %cond3A_74 {
        %add3A_97 = arith.constant 64 : i32
        %add3A_98 = arith.addi %add3A_60, %add3A_97 : i32
        %dma_start3A_99 = arith.constant 0 : i32
        %dma_start3A_100 = tpu.memref_slice %arg2[%add3A_98, %dma_start3A_99] : memref<16384x200xi32, #tpu.memory_space<hbm>> -> memref<32x200xi32, #tpu.memory_space<hbm>>
        %dma_start3A_101 = arith.constant 0 : i32
        %dma_start3A_102 = tpu.memref_slice %arg2[%add3A_98, %dma_start3A_101] : memref<16384x200xi32, #tpu.memory_space<hbm>> -> memref<32x200xi32, #tpu.memory_space<hbm>>
        tpu.enqueue_dma source(%dma_start3A_102 : memref<32x200xi32, #tpu.memory_space<hbm>>) target(%arg8 : memref<32x200xi32, #tpu.memory_space<vmem>>) target_semaphore(%arg17 : memref<!tpu.dma_semaphore, #tpu.memory_space<semaphore_mem>>)
      } else {
      }
      %mul3A_75 = arith.constant 2 : i32
      %mul3A_76 = arith.muli %scan3A_53, %mul3A_75 : i32
      %add3A_77 = arith.constant 1 : i32
      %add3A_78 = arith.addi %mul3A_76, %add3A_77 : i32
      %mul3A_79 = arith.constant 32 : i32
      %mul3A_80 = arith.muli %add3A_78, %mul3A_79 : i32
      %add3A_81 = arith.addi %mul3A_2, %mul3A_80 : i32
      %dma_wait3A_82 = arith.constant 0 : i32
      %dma_wait3A_83 = tpu.memref_slice %arg2[%add3A_81, %dma_wait3A_82] : memref<16384x200xi32, #tpu.memory_space<hbm>> -> memref<32x200xi32, #tpu.memory_space<hbm>>
      %dma_wait3A_84 = arith.constant 0 : i32
      %dma_wait3A_85 = tpu.memref_slice %arg2[%add3A_81, %dma_wait3A_84] : memref<16384x200xi32, #tpu.memory_space<hbm>> -> memref<32x200xi32, #tpu.memory_space<hbm>>
      tpu.wait_dma2 semaphore(%arg18 : memref<!tpu.dma_semaphore, #tpu.memory_space<semaphore_mem>>) src(%dma_wait3A_85 : memref<32x200xi32, #tpu.memory_space<hbm>>) dst(%arg9 : memref<32x200xi32, #tpu.memory_space<vmem>>)
      %scan3A_86 = arith.constant 0 : i32
      %scan3A_87 = arith.constant 0 : i32
      %scan3A_88 = arith.constant 2 : i32
      %scan3A_89 = arith.addi %scan3A_87, %scan3A_88 : i32
      %scan3A_90 = arith.constant 1 : i32
      scf.for %scan3A_97 = %scan3A_87 to %scan3A_89 step %scan3A_90  : i32 {
        %parallel_loop3A = arith.constant 0 : i32
        %parallel_loop3A_98 = arith.constant 16 : i32
        %parallel_loop3A_99 = arith.constant 1 : i32
        scf.for %parallel_loop3A_231 = %parallel_loop3A to %parallel_loop3A_98 step %parallel_loop3A_99  : i32 {
          %parallel_loop3A_232 = arith.constant 16 : i32
          %parallel_loop3A_233 = arith.muli %scan3A_97, %parallel_loop3A_232 : i32
          %parallel_loop3A_234 = arith.addi %parallel_loop3A_233, %parallel_loop3A_231 : i32
          %parallel_loop3A_235 = arith.index_cast %parallel_loop3A_234 : i32 to index
          %parallel_loop3A_236 = arith.constant 0 : index
          %parallel_loop3A_237 = tpu.vector_load %arg9[%parallel_loop3A_235, %parallel_loop3A_236] {strides = array<i32>} : memref<32x200xi32, #tpu.memory_space<vmem>>, vector<16xi32>,
          %parallel_loop3A_238 = tpu.vector_load_idx %arg7[%parallel_loop3A_237] : memref<100352xf32, #tpu.memory_space<vmem>>[vector<16xi32>], vector<16xf32>,
          %parallel_loop3A_239 = arith.index_cast %parallel_loop3A_234 : i32 to index
          %parallel_loop3A_240 = arith.constant 16 : index
          %parallel_loop3A_241 = tpu.vector_load %arg9[%parallel_loop3A_239, %parallel_loop3A_240] {strides = array<i32>} : memref<32x200xi32, #tpu.memory_space<vmem>>, vector<16xi32>,
          %parallel_loop3A_242 = tpu.vector_load_idx %arg7[%parallel_loop3A_241] : memref<100352xf32, #tpu.memory_space<vmem>>[vector<16xi32>], vector<16xf32>,
          %parallel_loop3A_243 = arith.addf %parallel_loop3A_238, %parallel_loop3A_242 : vector<16xf32>
          %parallel_loop3A_244 = arith.index_cast %parallel_loop3A_234 : i32 to index
          %parallel_loop3A_245 = arith.constant 32 : index
          %parallel_loop3A_246 = tpu.vector_load %arg9[%parallel_loop3A_244, %parallel_loop3A_245] {strides = array<i32>} : memref<32x200xi32, #tpu.memory_space<vmem>>, vector<16xi32>,
          %parallel_loop3A_247 = tpu.vector_load_idx %arg7[%parallel_loop3A_246] : memref<100352xf32, #tpu.memory_space<vmem>>[vector<16xi32>], vector<16xf32>,
          %parallel_loop3A_248 = arith.addf %parallel_loop3A_243, %parallel_loop3A_247 : vector<16xf32>
          %parallel_loop3A_249 = arith.index_cast %parallel_loop3A_234 : i32 to index
          %parallel_loop3A_250 = arith.constant 48 : index
          %parallel_loop3A_251 = tpu.vector_load %arg9[%parallel_loop3A_249, %parallel_loop3A_250] {strides = array<i32>} : memref<32x200xi32, #tpu.memory_space<vmem>>, vector<16xi32>,
          %parallel_loop3A_252 = tpu.vector_load_idx %arg7[%parallel_loop3A_251] : memref<100352xf32, #tpu.memory_space<vmem>>[vector<16xi32>], vector<16xf32>,
          %parallel_loop3A_253 = arith.addf %parallel_loop3A_248, %parallel_loop3A_252 : vector<16xf32>
          %parallel_loop3A_254 = arith.index_cast %parallel_loop3A_234 : i32 to index
          %parallel_loop3A_255 = arith.constant 64 : index
          %parallel_loop3A_256 = tpu.vector_load %arg9[%parallel_loop3A_254, %parallel_loop3A_255] {strides = array<i32>} : memref<32x200xi32, #tpu.memory_space<vmem>>, vector<16xi32>,
          %parallel_loop3A_257 = tpu.vector_load_idx %arg7[%parallel_loop3A_256] : memref<100352xf32, #tpu.memory_space<vmem>>[vector<16xi32>], vector<16xf32>,
          %parallel_loop3A_258 = arith.addf %parallel_loop3A_253, %parallel_loop3A_257 : vector<16xf32>
          %parallel_loop3A_259 = arith.index_cast %parallel_loop3A_234 : i32 to index
          %parallel_loop3A_260 = arith.constant 80 : index
          %parallel_loop3A_261 = tpu.vector_load %arg9[%parallel_loop3A_259, %parallel_loop3A_260] {strides = array<i32>} : memref<32x200xi32, #tpu.memory_space<vmem>>, vector<16xi32>,
          %parallel_loop3A_262 = tpu.vector_load_idx %arg7[%parallel_loop3A_261] : memref<100352xf32, #tpu.memory_space<vmem>>[vector<16xi32>], vector<16xf32>,
          %parallel_loop3A_263 = arith.addf %parallel_loop3A_258, %parallel_loop3A_262 : vector<16xf32>
          %parallel_loop3A_264 = arith.index_cast %parallel_loop3A_234 : i32 to index
          %parallel_loop3A_265 = arith.constant 96 : index
          %parallel_loop3A_266 = tpu.vector_load %arg9[%parallel_loop3A_264, %parallel_loop3A_265] {strides = array<i32>} : memref<32x200xi32, #tpu.memory_space<vmem>>, vector<16xi32>,
          %parallel_loop3A_267 = tpu.vector_load_idx %arg7[%parallel_loop3A_266] : memref<100352xf32, #tpu.memory_space<vmem>>[vector<16xi32>], vector<16xf32>,
          %parallel_loop3A_268 = arith.addf %parallel_loop3A_263, %parallel_loop3A_267 : vector<16xf32>
          %parallel_loop3A_269 = arith.index_cast %parallel_loop3A_234 : i32 to index
          %parallel_loop3A_270 = arith.constant 112 : index
          %parallel_loop3A_271 = tpu.vector_load %arg9[%parallel_loop3A_269, %parallel_loop3A_270] {strides = array<i32>} : memref<32x200xi32, #tpu.memory_space<vmem>>, vector<16xi32>,
          %parallel_loop3A_272 = tpu.vector_load_idx %arg7[%parallel_loop3A_271] : memref<100352xf32, #tpu.memory_space<vmem>>[vector<16xi32>], vector<16xf32>,
          %parallel_loop3A_273 = arith.addf %parallel_loop3A_268, %parallel_loop3A_272 : vector<16xf32>
          %parallel_loop3A_274 = arith.index_cast %parallel_loop3A_234 : i32 to index
          %parallel_loop3A_275 = arith.constant 128 : index
          %parallel_loop3A_276 = tpu.vector_load %arg9[%parallel_loop3A_274, %parallel_loop3A_275] {strides = array<i32>} : memref<32x200xi32, #tpu.memory_space<vmem>>, vector<16xi32>,
          %parallel_loop3A_277 = tpu.vector_load_idx %arg7[%parallel_loop3A_276] : memref<100352xf32, #tpu.memory_space<vmem>>[vector<16xi32>], vector<16xf32>,
          %parallel_loop3A_278 = arith.addf %parallel_loop3A_273, %parallel_loop3A_277 : vector<16xf32>
          %parallel_loop3A_279 = arith.index_cast %parallel_loop3A_234 : i32 to index
          %parallel_loop3A_280 = arith.constant 144 : index
          %parallel_loop3A_281 = tpu.vector_load %arg9[%parallel_loop3A_279, %parallel_loop3A_280] {strides = array<i32>} : memref<32x200xi32, #tpu.memory_space<vmem>>, vector<16xi32>,
          %parallel_loop3A_282 = tpu.vector_load_idx %arg7[%parallel_loop3A_281] : memref<100352xf32, #tpu.memory_space<vmem>>[vector<16xi32>], vector<16xf32>,
          %parallel_loop3A_283 = arith.addf %parallel_loop3A_278, %parallel_loop3A_282 : vector<16xf32>
          %parallel_loop3A_284 = arith.index_cast %parallel_loop3A_234 : i32 to index
          %parallel_loop3A_285 = arith.constant 160 : index
          %parallel_loop3A_286 = tpu.vector_load %arg9[%parallel_loop3A_284, %parallel_loop3A_285] {strides = array<i32>} : memref<32x200xi32, #tpu.memory_space<vmem>>, vector<16xi32>,
          %parallel_loop3A_287 = tpu.vector_load_idx %arg7[%parallel_loop3A_286] : memref<100352xf32, #tpu.memory_space<vmem>>[vector<16xi32>], vector<16xf32>,
          %parallel_loop3A_288 = arith.addf %parallel_loop3A_283, %parallel_loop3A_287 : vector<16xf32>
          %parallel_loop3A_289 = arith.index_cast %parallel_loop3A_234 : i32 to index
          %parallel_loop3A_290 = arith.constant 176 : index
          %parallel_loop3A_291 = tpu.vector_load %arg9[%parallel_loop3A_289, %parallel_loop3A_290] {strides = array<i32>} : memref<32x200xi32, #tpu.memory_space<vmem>>, vector<16xi32>,
          %parallel_loop3A_292 = tpu.vector_load_idx %arg7[%parallel_loop3A_291] : memref<100352xf32, #tpu.memory_space<vmem>>[vector<16xi32>], vector<16xf32>,
          %parallel_loop3A_293 = arith.addf %parallel_loop3A_288, %parallel_loop3A_292 : vector<16xf32>
          %parallel_loop3A_294 = arith.index_cast %parallel_loop3A_234 : i32 to index
          %parallel_loop3A_295 = arith.constant 184 : index
          %parallel_loop3A_296 = tpu.vector_load %arg9[%parallel_loop3A_294, %parallel_loop3A_295] {strides = array<i32>} : memref<32x200xi32, #tpu.memory_space<vmem>>, vector<16xi32>,
          %parallel_loop3A_297 = arith.constant 8 : i32
          %parallel_loop3A_298 = vector.broadcast %parallel_loop3A_297 : i32 to vector<16xi32>
          %parallel_loop3A_299 = arith.cmpi sge, %iota3A, %parallel_loop3A_298 : vector<16xi32>
          %parallel_loop3A_300 = arith.constant 100001 : i32
          %parallel_loop3A_301 = vector.broadcast %parallel_loop3A_300 : i32 to vector<16xi32>
          %parallel_loop3A_302 = arith.select %parallel_loop3A_299, %parallel_loop3A_296, %parallel_loop3A_301 : vector<16xi1>, vector<16xi32>
          %parallel_loop3A_303 = tpu.vector_load_idx %arg7[%parallel_loop3A_302] : memref<100352xf32, #tpu.memory_space<vmem>>[vector<16xi32>], vector<16xf32>,
          %parallel_loop3A_304 = arith.addf %parallel_loop3A_293, %parallel_loop3A_303 : vector<16xf32>
          %parallel_loop3A_305 = arith.constant 16 : i32
          %parallel_loop3A_306 = arith.muli %parallel_loop3A_231, %parallel_loop3A_305 : i32
          %parallel_loop3A_307 = arith.index_cast %parallel_loop3A_306 : i32 to index
          %parallel_loop3A_308 = tpu.vector_load %arg13[%parallel_loop3A_307] {strides = array<i32>} : memref<256xf32, #tpu.memory_space<vmem>>, vector<16xf32>,
          tpu.vector_store %arg13[%parallel_loop3A_307], %parallel_loop3A_304 {strides = array<i32>} : memref<256xf32, #tpu.memory_space<vmem>>, vector<16xf32>,
        } {sc.loop_unroll_factor = 2 : i64, sc.parallel_access}
        %mul3A_100 = arith.constant 16 : i32
        %mul3A_101 = vector.broadcast %mul3A_100 : i32 to vector<16xi32>
        %mul3A_102 = arith.muli %iota3A, %mul3A_101 : vector<16xi32>
        %gather3A = tpu.vector_load_idx %arg13[%mul3A_102] : memref<256xf32, #tpu.memory_space<vmem>>[vector<16xi32>], vector<16xf32>,
        %mul3A_103 = arith.constant 16 : i32
        %mul3A_104 = vector.broadcast %mul3A_103 : i32 to vector<16xi32>
        %mul3A_105 = arith.muli %iota3A, %mul3A_104 : vector<16xi32>
        %add3A_106 = arith.constant 1 : i32
        %add3A_107 = vector.broadcast %add3A_106 : i32 to vector<16xi32>
        %add3A_108 = arith.addi %mul3A_105, %add3A_107 : vector<16xi32>
        %gather3A_109 = tpu.vector_load_idx %arg13[%add3A_108] : memref<256xf32, #tpu.memory_space<vmem>>[vector<16xi32>], vector<16xf32>,
        %add3A_110 = arith.addf %gather3A, %gather3A_109 : vector<16xf32>
        %mul3A_111 = arith.constant 16 : i32
        %mul3A_112 = vector.broadcast %mul3A_111 : i32 to vector<16xi32>
        %mul3A_113 = arith.muli %iota3A, %mul3A_112 : vector<16xi32>
        %add3A_114 = arith.constant 2 : i32
        %add3A_115 = vector.broadcast %add3A_114 : i32 to vector<16xi32>
        %add3A_116 = arith.addi %mul3A_113, %add3A_115 : vector<16xi32>
        %gather3A_117 = tpu.vector_load_idx %arg13[%add3A_116] : memref<256xf32, #tpu.memory_space<vmem>>[vector<16xi32>], vector<16xf32>,
        %add3A_118 = arith.addf %add3A_110, %gather3A_117 : vector<16xf32>
        %mul3A_119 = arith.constant 16 : i32
        %mul3A_120 = vector.broadcast %mul3A_119 : i32 to vector<16xi32>
        %mul3A_121 = arith.muli %iota3A, %mul3A_120 : vector<16xi32>
        %add3A_122 = arith.constant 3 : i32
        %add3A_123 = vector.broadcast %add3A_122 : i32 to vector<16xi32>
        %add3A_124 = arith.addi %mul3A_121, %add3A_123 : vector<16xi32>
        %gather3A_125 = tpu.vector_load_idx %arg13[%add3A_124] : memref<256xf32, #tpu.memory_space<vmem>>[vector<16xi32>], vector<16xf32>,
        %add3A_126 = arith.addf %add3A_118, %gather3A_125 : vector<16xf32>
        %mul3A_127 = arith.constant 16 : i32
        %mul3A_128 = vector.broadcast %mul3A_127 : i32 to vector<16xi32>
        %mul3A_129 = arith.muli %iota3A, %mul3A_128 : vector<16xi32>
        %add3A_130 = arith.constant 4 : i32
        %add3A_131 = vector.broadcast %add3A_130 : i32 to vector<16xi32>
        %add3A_132 = arith.addi %mul3A_129, %add3A_131 : vector<16xi32>
        %gather3A_133 = tpu.vector_load_idx %arg13[%add3A_132] : memref<256xf32, #tpu.memory_space<vmem>>[vector<16xi32>], vector<16xf32>,
        %add3A_134 = arith.addf %add3A_126, %gather3A_133 : vector<16xf32>
        %mul3A_135 = arith.constant 16 : i32
        %mul3A_136 = vector.broadcast %mul3A_135 : i32 to vector<16xi32>
        %mul3A_137 = arith.muli %iota3A, %mul3A_136 : vector<16xi32>
        %add3A_138 = arith.constant 5 : i32
        %add3A_139 = vector.broadcast %add3A_138 : i32 to vector<16xi32>
        %add3A_140 = arith.addi %mul3A_137, %add3A_139 : vector<16xi32>
        %gather3A_141 = tpu.vector_load_idx %arg13[%add3A_140] : memref<256xf32, #tpu.memory_space<vmem>>[vector<16xi32>], vector<16xf32>,
        %add3A_142 = arith.addf %add3A_134, %gather3A_141 : vector<16xf32>
        %mul3A_143 = arith.constant 16 : i32
        %mul3A_144 = vector.broadcast %mul3A_143 : i32 to vector<16xi32>
        %mul3A_145 = arith.muli %iota3A, %mul3A_144 : vector<16xi32>
        %add3A_146 = arith.constant 6 : i32
        %add3A_147 = vector.broadcast %add3A_146 : i32 to vector<16xi32>
        %add3A_148 = arith.addi %mul3A_145, %add3A_147 : vector<16xi32>
        %gather3A_149 = tpu.vector_load_idx %arg13[%add3A_148] : memref<256xf32, #tpu.memory_space<vmem>>[vector<16xi32>], vector<16xf32>,
        %add3A_150 = arith.addf %add3A_142, %gather3A_149 : vector<16xf32>
        %mul3A_151 = arith.constant 16 : i32
        %mul3A_152 = vector.broadcast %mul3A_151 : i32 to vector<16xi32>
        %mul3A_153 = arith.muli %iota3A, %mul3A_152 : vector<16xi32>
        %add3A_154 = arith.constant 7 : i32
        %add3A_155 = vector.broadcast %add3A_154 : i32 to vector<16xi32>
        %add3A_156 = arith.addi %mul3A_153, %add3A_155 : vector<16xi32>
        %gather3A_157 = tpu.vector_load_idx %arg13[%add3A_156] : memref<256xf32, #tpu.memory_space<vmem>>[vector<16xi32>], vector<16xf32>,
        %add3A_158 = arith.addf %add3A_150, %gather3A_157 : vector<16xf32>
        %mul3A_159 = arith.constant 16 : i32
        %mul3A_160 = vector.broadcast %mul3A_159 : i32 to vector<16xi32>
        %mul3A_161 = arith.muli %iota3A, %mul3A_160 : vector<16xi32>
        %add3A_162 = arith.constant 8 : i32
        %add3A_163 = vector.broadcast %add3A_162 : i32 to vector<16xi32>
        %add3A_164 = arith.addi %mul3A_161, %add3A_163 : vector<16xi32>
        %gather3A_165 = tpu.vector_load_idx %arg13[%add3A_164] : memref<256xf32, #tpu.memory_space<vmem>>[vector<16xi32>], vector<16xf32>,
        %add3A_166 = arith.addf %add3A_158, %gather3A_165 : vector<16xf32>
        %mul3A_167 = arith.constant 16 : i32
        %mul3A_168 = vector.broadcast %mul3A_167 : i32 to vector<16xi32>
        %mul3A_169 = arith.muli %iota3A, %mul3A_168 : vector<16xi32>
        %add3A_170 = arith.constant 9 : i32
        %add3A_171 = vector.broadcast %add3A_170 : i32 to vector<16xi32>
        %add3A_172 = arith.addi %mul3A_169, %add3A_171 : vector<16xi32>
        %gather3A_173 = tpu.vector_load_idx %arg13[%add3A_172] : memref<256xf32, #tpu.memory_space<vmem>>[vector<16xi32>], vector<16xf32>,
        %add3A_174 = arith.addf %add3A_166, %gather3A_173 : vector<16xf32>
        %mul3A_175 = arith.constant 16 : i32
        %mul3A_176 = vector.broadcast %mul3A_175 : i32 to vector<16xi32>
        %mul3A_177 = arith.muli %iota3A, %mul3A_176 : vector<16xi32>
        %add3A_178 = arith.constant 10 : i32
        %add3A_179 = vector.broadcast %add3A_178 : i32 to vector<16xi32>
        %add3A_180 = arith.addi %mul3A_177, %add3A_179 : vector<16xi32>
        %gather3A_181 = tpu.vector_load_idx %arg13[%add3A_180] : memref<256xf32, #tpu.memory_space<vmem>>[vector<16xi32>], vector<16xf32>,
        %add3A_182 = arith.addf %add3A_174, %gather3A_181 : vector<16xf32>
        %mul3A_183 = arith.constant 16 : i32
        %mul3A_184 = vector.broadcast %mul3A_183 : i32 to vector<16xi32>
        %mul3A_185 = arith.muli %iota3A, %mul3A_184 : vector<16xi32>
        %add3A_186 = arith.constant 11 : i32
        %add3A_187 = vector.broadcast %add3A_186 : i32 to vector<16xi32>
        %add3A_188 = arith.addi %mul3A_185, %add3A_187 : vector<16xi32>
        %gather3A_189 = tpu.vector_load_idx %arg13[%add3A_188] : memref<256xf32, #tpu.memory_space<vmem>>[vector<16xi32>], vector<16xf32>,
        %add3A_190 = arith.addf %add3A_182, %gather3A_189 : vector<16xf32>
        %mul3A_191 = arith.constant 16 : i32
        %mul3A_192 = vector.broadcast %mul3A_191 : i32 to vector<16xi32>
        %mul3A_193 = arith.muli %iota3A, %mul3A_192 : vector<16xi32>
        %add3A_194 = arith.constant 12 : i32
        %add3A_195 = vector.broadcast %add3A_194 : i32 to vector<16xi32>
        %add3A_196 = arith.addi %mul3A_193, %add3A_195 : vector<16xi32>
        %gather3A_197 = tpu.vector_load_idx %arg13[%add3A_196] : memref<256xf32, #tpu.memory_space<vmem>>[vector<16xi32>], vector<16xf32>,
        %add3A_198 = arith.addf %add3A_190, %gather3A_197 : vector<16xf32>
        %mul3A_199 = arith.constant 16 : i32
        %mul3A_200 = vector.broadcast %mul3A_199 : i32 to vector<16xi32>
        %mul3A_201 = arith.muli %iota3A, %mul3A_200 : vector<16xi32>
        %add3A_202 = arith.constant 13 : i32
        %add3A_203 = vector.broadcast %add3A_202 : i32 to vector<16xi32>
        %add3A_204 = arith.addi %mul3A_201, %add3A_203 : vector<16xi32>
        %gather3A_205 = tpu.vector_load_idx %arg13[%add3A_204] : memref<256xf32, #tpu.memory_space<vmem>>[vector<16xi32>], vector<16xf32>,
        %add3A_206 = arith.addf %add3A_198, %gather3A_205 : vector<16xf32>
        %mul3A_207 = arith.constant 16 : i32
        %mul3A_208 = vector.broadcast %mul3A_207 : i32 to vector<16xi32>
        %mul3A_209 = arith.muli %iota3A, %mul3A_208 : vector<16xi32>
        %add3A_210 = arith.constant 14 : i32
        %add3A_211 = vector.broadcast %add3A_210 : i32 to vector<16xi32>
        %add3A_212 = arith.addi %mul3A_209, %add3A_211 : vector<16xi32>
        %gather3A_213 = tpu.vector_load_idx %arg13[%add3A_212] : memref<256xf32, #tpu.memory_space<vmem>>[vector<16xi32>], vector<16xf32>,
        %add3A_214 = arith.addf %add3A_206, %gather3A_213 : vector<16xf32>
        %mul3A_215 = arith.constant 16 : i32
        %mul3A_216 = vector.broadcast %mul3A_215 : i32 to vector<16xi32>
        %mul3A_217 = arith.muli %iota3A, %mul3A_216 : vector<16xi32>
        %add3A_218 = arith.constant 15 : i32
        %add3A_219 = vector.broadcast %add3A_218 : i32 to vector<16xi32>
        %add3A_220 = arith.addi %mul3A_217, %add3A_219 : vector<16xi32>
        %gather3A_221 = tpu.vector_load_idx %arg13[%add3A_220] : memref<256xf32, #tpu.memory_space<vmem>>[vector<16xi32>], vector<16xf32>,
        %add3A_222 = arith.addf %add3A_214, %gather3A_221 : vector<16xf32>
        %add3A_223 = arith.addf %add3A_222, %get3A_46 : vector<16xf32>
        %mul3A_224 = arith.constant 32 : i32
        %mul3A_225 = arith.muli %add3A_78, %mul3A_224 : i32
        %mul3A_226 = arith.constant 16 : i32
        %mul3A_227 = arith.muli %scan3A_97, %mul3A_226 : i32
        %add3A_228 = arith.addi %mul3A_225, %mul3A_227 : i32
        %swap3A_229 = arith.index_cast %add3A_228 : i32 to index
        %swap3A_230 = tpu.vector_load %arg11[%swap3A_229] {strides = array<i32>} : memref<512xf32, #tpu.memory_space<vmem>>, vector<16xf32>,
        tpu.vector_store %arg11[%swap3A_229], %add3A_223 {strides = array<i32>} : memref<512xf32, #tpu.memory_space<vmem>>, vector<16xf32>,
      }
      %scan3A_91 = arith.constant 2 : i32
      %lt3A_92 = arith.constant 7 : i32
      %lt3A_93 = arith.cmpi slt, %scan3A_53, %lt3A_92 : i32
      %convert_element_type3A_94 = arith.extui %lt3A_93 : i1 to i32
      %cond3A_95 = arith.constant 0 : i32
      %cond3A_96 = arith.cmpi ne, %convert_element_type3A_94, %cond3A_95 : i32
      scf.if %cond3A_96 {
        %add3A_97 = arith.constant 64 : i32
        %add3A_98 = arith.addi %add3A_81, %add3A_97 : i32
        %dma_start3A_99 = arith.constant 0 : i32
        %dma_start3A_100 = tpu.memref_slice %arg2[%add3A_98, %dma_start3A_99] : memref<16384x200xi32, #tpu.memory_space<hbm>> -> memref<32x200xi32, #tpu.memory_space<hbm>>
        %dma_start3A_101 = arith.constant 0 : i32
        %dma_start3A_102 = tpu.memref_slice %arg2[%add3A_98, %dma_start3A_101] : memref<16384x200xi32, #tpu.memory_space<hbm>> -> memref<32x200xi32, #tpu.memory_space<hbm>>
        tpu.enqueue_dma source(%dma_start3A_102 : memref<32x200xi32, #tpu.memory_space<hbm>>) target(%arg9 : memref<32x200xi32, #tpu.memory_space<vmem>>) target_semaphore(%arg18 : memref<!tpu.dma_semaphore, #tpu.memory_space<semaphore_mem>>)
      } else {
      }
    }
    %scan3A_52 = arith.constant 8 : i32
    "tpu.region"() ({
      %run_scoped3A = tpu.sem_alloc : memref<!tpu.dma_semaphore, #tpu.memory_space<semaphore_mem>>
      %dma_start3A_53 = tpu.memref_slice %arg6[%mul3A_2] : memref<16384xf32, #tpu.memory_space<hbm>> -> memref<512xf32, #tpu.memory_space<hbm>>
      %dma_start3A_54 = tpu.memref_slice %arg6[%mul3A_2] : memref<16384xf32, #tpu.memory_space<hbm>> -> memref<512xf32, #tpu.memory_space<hbm>>
      tpu.enqueue_dma source(%arg11 : memref<512xf32, #tpu.memory_space<vmem>>) target(%dma_start3A_54 : memref<512xf32, #tpu.memory_space<hbm>>) target_semaphore(%run_scoped3A : memref<!tpu.dma_semaphore, #tpu.memory_space<semaphore_mem>>)
      %dma_wait3A = tpu.memref_slice %arg6[%mul3A_2] : memref<16384xf32, #tpu.memory_space<hbm>> -> memref<512xf32, #tpu.memory_space<hbm>>
      %dma_wait3A_55 = tpu.memref_slice %arg6[%mul3A_2] : memref<16384xf32, #tpu.memory_space<hbm>> -> memref<512xf32, #tpu.memory_space<hbm>>
      tpu.wait_dma2 semaphore(%run_scoped3A : memref<!tpu.dma_semaphore, #tpu.memory_space<semaphore_mem>>) src(%arg11 : memref<512xf32, #tpu.memory_space<vmem>>) dst(%dma_wait3A_55 : memref<512xf32, #tpu.memory_space<hbm>>)
      tpu.yield
    }) : () -> ()
    return
  }
}

</mosaic_0001>

<sc_bundles>
// kernel: kernel.3.cloned.1.call-start
scs
__scs_entry_jumppad:
0x0: {  	(pc) =	sbr.rel $0x88, $3  }
0x1: {  	(tag) =	ssettag $0x0;
	lr =	simm.s32 $0x1  }
0x2: {  	[smem:$0x3F9D] =	sst lr;
	_ =	strace $0xD0000000  }
0x3: {  	_ = 	snop  }
0x4: {  	_ = 	snop  }
0x5: {  	_ = 	snop  }
0x6: {  	_ = 	snop  }
0x7: {  	_ = 	snop  }
__scs_overlays_trampoline_lowered:
0x8: {  	[smem:$0x3FAC] =	sst s0  }
0x9: {  	[smem:$0x3FAD] =	sst s1  }
0xa: {  	[smem:$0x3FAE] =	sst s2  }
0xb: {  	[smem:$0x3FAF] =	sst s3  }
0xc: {  	[smem:$0x3FB0] =	sst s4  }
0xd: {  	[smem:$0x3FB1] =	sst s5  }
0xe: {  	[smem:$0x3FB2] =	sst s6  }
0xf: {  	[smem:$0x3FB3] =	sst s7  }
0x10: {  	[smem:$0x3FB4] =	sst s8  }
0x11: {  	[smem:$0x3FB5] =	sst s9;
	s0 =	simm.s32 @!p0 $0x0  }
0x12: {  	s1 =	sld [smem:$0x3F9B];
	s0 =	simm.s32 @p0 $0x1  }
0x13: {  	[smem:$0x3FB6] =	sst s0;
	s0 =	simm.s32 @!p1 $0x0  }
0x14: {  	s2 =	sld [smem:$0x3F9A];
	s0 =	simm.s32 @p1 $0x1  }
0x15: {  	[smem:$0x3FB7] =	sst s0;
	s0 =	simm.s32 @!p2 $0x0  }
0x16: {  	s3 =	sld [smem:$0x3FDB];
	s0 =	simm.s32 @p2 $0x1  }
0x17: {  	s4 =	simm.s32 $0x1BF5;
	[smem:$0x3FB9] =	sst s0  }
0x18: {  	s0 =	sld [smem:$0x3F9C];
	_ =	swait.ge [sflag:s4], $0x0  }
0x19: {  	s7 =	sld [smem:$0x3F9D]  }
0x1a: {  	s8 =	sadd.s32 $0xFFFFE003, lr  }
0x1b: {  	s9 =	sadd.s32 $0xFFFFFEF7, lr;
	s5 =	simm.s32 $0xFFFFFFFF;
	p2 =	slt.u32 s8, $0xFFFFF086  }
0x1c: {  	p1 =	slt.u32 s9, $0xF7A;
	s5 =	simm.s32 @!p2 $0x0  }
0x1d: {  	s5 =	simm.s32 @p1 $0x1;
	p0 =	seq.s32 s7, s2  }
0x1e: {  	s7 =	smul.u32 @!p0 $0xF7A, s2;
	p2 =	seq.s32 @!p0 s5, $0x0  }
0x1f: {  	s9 =	smul.u32 $0xF7A, s1;
	s8 =	simm.s32 @!p0 $0x1BF5;
	p2 =	por !p2, p0  }
0x20: {  	[sflag:s8] =	ssyncset.s32 @!p0 $0xFFFFF086;
	s6 =	sadd.s32 @!p0 s3, s7;
	s7 =	simm.s32 @!p0 $0x108  }
0x21: {  	s3 =	sadd.s32 s3, s9;
	s6 =	sadd.s32 @!p0 $0x88, s6;
	s7 =	simm.s32 @p2 $0x1082  }
0x22: {  	[simem:s7], [sflag:s8] =	dma.local @!p0 [hbm:s6], $0xF7A  }
0x23: {  	s9 =	sor.u32 $0xD0000000, s2;
	s6 =	simm.s32 $0x108;
	_ =	swait.ge @!p0 [sflag:s8], $0x0  }
0x24: {  	s3 =	sadd.s32 $0x88, s3;
	s6 =	simm.s32 @!p1 $0x1082;
	[sflag:s4] =	ssyncset.s32 $0xFFFFF086  }
0x25: {  	[simem:s6], [sflag:s4] =	dma.local [hbm:s3], $0xF7A  }
0x26: {  	[smem:$0x3F9D] =	sst s1;
	(tag) =	ssettag s2;
	_ =	strace s9  }
0x27: {  	s1 =	sld [smem:$0x3FAD]  }
0x28: {  	s2 =	sld [smem:$0x3FAE]  }
0x29: {  	s4 =	sld [smem:$0x3FB0]  }
0x2a: {  	p0 =	seq.s32 s5, $0x0;
	s5 =	sld [smem:$0x3FB1]  }
0x2b: {  	s6 =	sld [smem:$0x3FB2]  }
0x2c: {  	s7 =	sld [smem:$0x3FB3]  }
0x2d: {  	s3 =	simm.s32 $0x108;
	s8 =	sld [smem:$0x3FB4]  }
0x2e: {  	s3 =	simm.s32 @!p0 $0x1082;
	s9 =	sld [smem:$0x3FB5]  }
0x2f: {  	lr =	sadd.s32 s0, s3;
	s0 =	sld [smem:$0x3FAC]  }
0x30: {  	s3 =	sld [smem:$0x3FAF]  }
0x31: {  	[smem:$0x3FB8] =	sst s10  }
0x32: {  	s10 =	sld [smem:$0x3FB6];
	_ =	sdelay $0x3  }
0x33: {  	p0 =	seq.s32 s10, $0x1;
	s10 =	sld [smem:$0x3FB8];
	_ =	sdelay $0x3  }
0x34: {  	[smem:$0x3FB8] =	sst s10  }
0x35: {  	s10 =	sld [smem:$0x3FB7];
	_ =	sdelay $0x3  }
0x36: {  	p1 =	seq.s32 s10, $0x1;
	s10 =	sld [smem:$0x3FB8];
	_ =	sdelay $0x3  }
0x37: {  	[smem:$0x3FB8] =	sst s10  }
0x38: {  	s10 =	sld [smem:$0x3FB9]  }
0x39: {  	_ = 	snop;
	(pc) =	sbr.ind lr, $3  }
0x3a: {  	_ = 	snop  }
0x3b: {  	_ = 	snop  }
0x3c: {  	p2 =	seq.s32 s10, $0x1;
	s10 =	sld [smem:$0x3FB8]  }
0x3d: {  	_ =	shalt  }
0x3e: {  	_ =	shalt  }
0x3f: {  	_ =	shalt  }
0x40: {  	_ =	shalt  }
0x41: {  	_ =	shalt  }
0x42: {  	_ =	shalt  }
0x43: {  	_ =	shalt  }
0x44: {  	_ =	shalt  }
0x45: {  	_ =	shalt  }
0x46: {  	_ =	shalt  }
0x47: {  	_ =	shalt  }
0x48: {  	_ =	shalt  }
0x49: {  	_ =	shalt  }
0x4a: {  	_ =	shalt  }
0x4b: {  	_ =	shalt  }
0x4c: {  	_ =	shalt  }
0x4d: {  	_ =	shalt  }
0x4e: {  	_ =	shalt  }
0x4f: {  	_ =	shalt  }
0x50: {  	_ =	shalt  }
0x51: {  	_ =	shalt  }
0x52: {  	_ =	shalt  }
0x53: {  	_ =	shalt  }
0x54: {  	_ =	shalt  }
0x55: {  	_ =	shalt  }
0x56: {  	_ =	shalt  }
0x57: {  	_ =	shalt  }
0x58: {  	_ =	shalt  }
0x59: {  	_ =	shalt  }
0x5a: {  	_ =	shalt  }
0x5b: {  	_ =	shalt  }
0x5c: {  	_ =	shalt  }
0x5d: {  	_ =	shalt  }
0x5e: {  	_ =	shalt  }
0x5f: {  	_ =	shalt  }
0x60: {  	_ =	shalt  }
0x61: {  	_ =	shalt  }
0x62: {  	_ =	shalt  }
0x63: {  	_ =	shalt  }
0x64: {  	_ =	shalt  }
0x65: {  	_ =	shalt  }
0x66: {  	_ =	shalt  }
0x67: {  	_ =	shalt  }
0x68: {  	_ =	shalt  }
0x69: {  	_ =	shalt  }
0x6a: {  	_ =	shalt  }
0x6b: {  	_ =	shalt  }
0x6c: {  	_ =	shalt  }
0x6d: {  	_ =	shalt  }
0x6e: {  	_ =	shalt  }
0x6f: {  	_ =	shalt  }
0x70: {  	_ =	shalt  }
0x71: {  	_ =	shalt  }
0x72: {  	_ =	shalt  }
0x73: {  	_ =	shalt  }
0x74: {  	_ =	shalt  }
0x75: {  	_ =	shalt  }
0x76: {  	_ =	shalt  }
0x77: {  	_ =	shalt  }
0x78: {  	_ =	shalt  }
0x79: {  	_ =	shalt  }
0x7a: {  	_ =	shalt  }
0x7b: {  	_ =	shalt  }
0x7c: {  	_ =	shalt  }
0x7d: {  	_ =	shalt  }
0x7e: {  	_ =	shalt  }
0x7f: {  	_ =	shalt  }
0x80: {  	_ =	shalt  }
0x81: {  	_ =	shalt  }
0x82: {  	_ =	shalt  }
0x83: {  	_ =	shalt  }
0x84: {  	_ =	shalt  }
0x85: {  	_ =	shalt  }
0x86: {  	_ =	shalt  }
0x87: {  	_ =	shalt  }
.Lfunc_end0:
.L_simem_size_0:
called_computation_lowered:
.L_overlay_start_0:
0x88: {  	s2 =	sld [smem:$0x3FD9]  }
0x89: {  	s3 =	sld [smem:$0x3FFE];
	_ =	sdelay $0x1  }
0x8a: {  	s1 =	srdreg.scid  }
0x8b: {  	s0 =	sand.u32 $0x1, s1  }
0x8c: {  	s17 =	sshll.u32 s0, $0xA;
	s2 =	sadd.s32 s3, s2  }
0x8d: {  	s2 =	sadd.s32 s2, s17  }
0x8e: {  	[smem:$0x3FC4] =	sst s2  }
0x8f: {  	_ = 	snop  }
0x90: {  	s2 =	sld [smem:$0x3FC8]  }
0x91: {  	s18 =	sld [smem:$0x3FD0];
	(tm) =	ssettm $0x1  }
0x92: {  	s4 =	sld [smem:$0x3FFB];
	_ =	sdelay $0x3  }
0x93: {  	_ =	strace s4  }
0x94: {  	s4 =	sld [smem:$0x3FFC];
	_ =	sdelay $0x3  }
0x95: {  	_ =	strace s4  }
0x96: {  	s4 =	sld [smem:$0x3FFD];
	_ =	sdelay $0x3  }
0x97: {  	_ =	strace s4  }
0x98: {  	_ =	strace $0x8FFFFFFF  }
0x99: {  	s19 =	sld [smem:$0x3FDB];
	_ =	sdelay $0x1  }
0x9a: {  	s5 =	simm.s32 $_scs_section_size  }
0x9b: {  	s6 =	simm.s32 $_size__tile_overlayer_lowered;
	s7 =	simm.s32 $_tile_overlayer_lowered  }
0x9c: {  	s22 =	simm.s32 $0x1BFF;
	s21 =	sshll.u32 s7, $0x1;
	s4 =	sadd.s32 s5, s19  }
0x9d: {  	s8 =	simm.s32 $0x0;
	s20 =	sshll.u32 s6, $0x1;
	s6 =	sadd.s32 s21, s4  }
0x9e: {  	[timem:s8], [sflag:s22] =	dma.local [hbm:s6], s20  }
0x9f: {  	_ =	swait.ge [sflag:s22], s20  }
0xa0: {  	s5 =	ssub.s32 $0x0, s20;
	[sflag:s22] =	ssyncset.done $0x0  }
0xa1: {  	[sflag:s22] =	ssyncadd.s32 s5;
	_ =	sdelay $0x1  }
0xa2: {  	s23 =	simm.s32 $0x1B8B  }
0xa3: {  	_ =	swait.ge [sflag:s23], $0x1  }
0xa4: {  	[sflag:s23] =	ssyncset.done $0x0  }
0xa5: {  	s25 =	simm.s32 $0x1B8E;
	s24 =	sld [smem:$0x3FFE];
	[sflag:s23] =	ssyncadd.s32 $0xFFFFFFFF  }
0xa6: {  	s26 =	simm.s32 $execute0_lowered;
	[smem:$0x3FD2] =	sst s25  }
0xa7: {  	s6 =	sshll.u32 s26, $0x1;
	_ =	strace $0x80000046;
	[dreg:$0x1] =	wrdreg $0xFFFFFFFF  }
0xa8: {  	s28 =	simm.s32 $_size_execute0_lowered;
	s4 =	sadd.s32 s4, s6;
	[dreg:$0x0] =	wrdreg $0x0  }
0xa9: {  	s6 =	sshll.u32 s28, $0x1;
	[dreg:$0x2] =	wrdreg s4  }
0xaa: {  	[dreg:$0x3] =	wrdreg s6  }
0xab: {  	[dreg:$0x4] =	wrdreg $0xC0  }
0xac: {  	_ =	task [dreg:s8], $0x5FFFF  }
0xad: {  	[dreg:$0x1] =	wrdreg $0xFFFFFFFF  }
0xae: {  	[dreg:$0x0] =	wrdreg $0x60  }
0xaf: {  	[dreg:$0x2] =	wrdreg s24  }
0xb0: {  	[dreg:$0x3] =	wrdreg s2  }
0xb1: {  	[dreg:$0x4] =	wrdreg s18  }
0xb2: {  	[dreg:$0x5] =	wrdreg $0x1E5000  }
0xb3: {  	[dreg:$0x6] =	wrdreg $0x9  }
0xb4: {  	_ =	task.clear_ibuf [dreg:s8], $0x7FFFF;
	_ =	strace $0x90000046  }
0xb5: {  	s29 =	simm.s32 $0x9;
	_ =	strace $0x80000048  }
0xb6: {  	_ =	swait.ge [sflag:s29], $0x1  }
0xb7: {  	[sflag:s29] =	ssyncadd.s32 $0xFFFFFFFF  }
0xb8: {  	_ =	strace $0x90000048  }
0xb9: {  	_ =	sfence  }
0xba: {  	s30 =	sld [smem:$0x0];
	_ =	sdelay $0x2  }
0xbb: {  	s31 =	sshll.u32 s1, $0xD;
	s1 =	sshrl.u32 s1, $0x2  }
0xbc: {  	s3 =	sand.u32 $0x4000, s31;
	s1 =	sadd.s32 s1, s30  }
0xbd: {  	s0 =	sor.u32 s3, s0;
	s1 =	sshll.u32 s1, $0x11  }
0xbe: {  	s0 =	sor.u32 s1, s0  }
0xbf: {  	s0 =	sadd.s32 $0x8F2B, s0  }
0xc0: {  	[sflag:s0] =	ssyncadd.remote.s32 $0x1  }
0xc1: {  	_ =	sfence.sel $0xFFFF  }
0xc2: {  	[dreg:$0x0] =	wrdreg $0xFFFFFFFF;
	(pc) =	sbr.abs _section_cstart, $3  }
0xc3: {  	[dreg:$0x1] =	wrdreg $0xFFFFFFFF  }
0xc4: {  	_ =	task.clear_ibuf [dreg:s8], $0x2FFFF;
	_ =	strace $0x9FFFFFFF  }
0xc5: {  	(tm) =	ssettm $0x7FFFFFFF  }
tec
execute0_lowered:
.L_overlay_start_1:
0x0: {  	(tag) =	ssettag $0x1  }
0x1: {  	s0 =	rddreg [dreg:$0x0]  }
0x2: {  	s1 =	rddreg [dreg:$0x1]  }
0x3: {  	s2 =	srdreg.scid;
	s15 =	rddreg [dreg:$0x2]  }
0x4: {  	s6 =	stileid.u32;
	s14 =	rddreg [dreg:$0x3]  }
0x5: {  	s3 =	simm.s32 $0x0;
	s18 =	simm.s32 $0x1A800;
	s19 =	simm.s32 $0x3  }
0x6: {  	s23 =	simm.s32 $0x1;
	s24 =	simm.s32 $0x1E300;
	s25 =	simm.s32 $0x2  }
0x7: {  	s28 =	simm.s32 $0x0;
	s2 =	sand.u32 $0x1, s2;
	s4 =	sshll.u32 s6, $0xA  }
0x8: {  	[smem:$0x7FF] =	sst s3;
	s26 =	sadd.s32 $0x80200, s0;
	s10 =	smul.u32 $0x310, s6  }
0x9: {  	s29 =	sadd.s32 $0x81C00, s0;
	s12 =	smul.u32 $0x6200, s6;
	s9 =	sadd.s32 $0x81A60, s0  }
0xa: {  	v0 =	vlaneseq.u32;
	s11 =	sadd.s32 $0x2DF0, s1;
	p0 =	seq.s32 s6, $0xF;
	s5 =	sshll.u32 s2, $0x9  }
0xb: {  	v0 =	vmul.u32 $0x10, v0;
	_ =	strace $0x80000047;
	s2 =	ssub.s32 $0x2, s2;
	[dreg:$0x5] =	wrdreg s26  }
0xc: {  	vm0 =	vmmov $0xff;
	[dreg:$0x6] =	wrdreg s29;
	s4 =	sor.u32 s5, s4;
	s7 =	sshrl.u32 s2, $0x1  }
.Ltmp0:
0xd: {  	s10 =	sadd.s32 s1, s10;
	s13 =	sshrl.u32 s12, $0x2;
	v1 =	vor.u32 $0x1, v0;
	v2 =	vor.u32 $0x2, v0;
	v3 =	vor.u32 $0x3, v0;
	(pc) =	sbr.rel .LBB2_1-.Ltmp0, $4  }
0xe: {  	s12 =	sadd.s32 $0x30D0, s1;
	v4 =	vor.u32 $0x4, v0;
	v5 =	vor.u32 $0x5, v0;
	v6 =	vor.u32 $0x6, v0;
	s5 =	sshll.u32 s4, $0x5;
	s2 =	ssub.s32 s2, s7  }
0xf: {  	v7 =	vor.u32 $0x7, v0;
	v8 =	vor.u32 $0x8, v0;
	v9 =	vor.u32 $0x9, v0;
	s13 =	sadd.s32 s13, s14;
	s31 =	sshrl.u32 s4, $0x3;
	s8 =	sadd.s32 s5, s0  }
0x10: {  	v10 =	vor.u32 $0xA, v0;
	v11 =	vor.u32 $0xB, v0;
	v12 =	vor.u32 $0xC, v0;
	s14 =	sadd.s32 $0xA00, s0;
	s15 =	sadd.s32 s15, s31;
	s30 =	sadd.s32 $0x200, s8  }
0x11: {  	v13 =	vor.u32 $0xD, v0;
	v14 =	vor.u32 $0xE, v0;
	v15 =	vor.u32 $0xF, v0;
	s16 =	smax.u32 s2, $0x1;
	s8 =	sadd.s32 $0x600, s8;
	[dreg:$0x7] =	wrdreg s30  }
.LBB2_14:
0x12: {  	s28 =	sadd.s32 $0x1, s28  }
0x13: {  	p1 =	sne.s32 s28, s16  }
.Ltmp1:
0x14: {  	s0 =	simm.s32 $0x1E080;
	(pc) =	sbr.rel @!p1 .LBB2_15-.Ltmp1, $4  }
0x15: {  	[hbm4b:s15+s3] =	stream.linear.scatter [tilespmem:s0], [sflag:$0x3], $0x200, $0x38;
	[tilespmem:$0x1FD80] =	vst v63  }
0x16: {  	_ =	swait.ge [sflag:s19], $0x200  }
0x17: {  	[sflag:s19] =	ssyncset.done $0x0  }
0x18: {  	[sflag:s19] =	ssyncadd.s32 $0xFFFFFE00  }
.LBB2_1:
0x19: {  	s0 =	rddreg [dreg:$0x7];
	s1 =	simm.s32 $0x18800  }
0x1a: {  	[tilespmem:s1], [sflag:$0x1] =	stream.linear.gather [hbm4b:s0+s3], $0x2000, $0x38;
	[tilespmem:$0x1FD80] =	vst v63  }
0x1b: {  	_ = 	snop  }
0x1c: {  	[tilespmem:s18], [sflag:$0x2] =	stream.linear.gather [hbm4b:s8+s3], $0x2000, $0x38;
	[tilespmem:$0x1FD80] =	vst v63  }
0x1d: {  	s30 =	rddreg [dreg:$0x5]  }
0x1e: {  	[tilespmem:s3], [sflag:$0x3] =	stream.linear.gather [hbm4b:s30+s3], $0xC300, $0x38;
	[tilespmem:$0x1FD80] =	vst v63  }
0x1f: {  	_ =	swait.ge [sflag:s19], $0xC300  }
0x20: {  	[sflag:s19] =	ssyncset.done $0x0  }
0x21: {  	s31 =	simm.s32 $0x1E400;
	[sflag:s19] =	ssyncadd.s32 $0xFFFF3D00  }
0x22: {  	[tilespmem:s31], [sflag:$0x3] =	stream.linear.gather [hbm4b:s9+s3], $0x50, $0x38;
	[tilespmem:$0x1FD80] =	vst v63  }
0x23: {  	_ =	swait.ge [sflag:s19], $0x50  }
0x24: {  	[sflag:s19] =	ssyncset.done $0x0  }
0x25: {  	[sflag:s19] =	ssyncadd.s32 $0xFFFFFFB0  }
0x26: {  	v16 =	vld [tilespmem:$0x1E400]  }
0x27: {  	v17 =	vld [tilespmem:$0x1E410]  }
0x28: {  	v18 =	vld [tilespmem:$0x1E420]  }
0x29: {  	v19 =	vld [tilespmem:$0x1E430]  }
0x2a: {  	v20 =	vld [tilespmem:$0x1E440]  }
0x2b: {  	[tilespmem:$0xC300] =	vst v16  }
0x2c: {  	[tilespmem:$0xC310] =	vst v17  }
0x2d: {  	[tilespmem:$0xC320] =	vst v18  }
0x2e: {  	[tilespmem:$0xC330] =	vst v19  }
0x2f: {  	s0 =	simm.s32 @p0 $0x0;
	s1 =	simm.s32 @p0 $0x1C800;
	[tilespmem:$0xC340] =	vst v20  }
0x30: {  	[tilespmem:s1], [sflag:$0x3] =	stream.linear.gather @p0 [hbm4b:s11+s0], $0x1700, $0x38;
	[tilespmem:$0x1FD80] =	vst v63  }
0x31: {  	s1 =	simm.s32 @p0 $0x3  }
0x32: {  	_ =	swait.ge @p0 [sflag:s1], $0x1700  }
0x33: {  	[sflag:s1] =	ssyncset.done @p0 $0x0  }
0x34: {  	s2 =	simm.s32 @p0 $0x1E480;
	[sflag:s1] =	ssyncadd.s32 @p0 $0xFFFFE900  }
0x35: {  	[tilespmem:s2], [sflag:$0x3] =	stream.linear.gather @p0 [hbm4b:s12+s0], $0x20, $0x38;
	[tilespmem:$0x1FD80] =	vst v63  }
0x36: {  	_ =	swait.ge @p0 [sflag:s1], $0x20  }
0x37: {  	[sflag:s1] =	ssyncset.done @p0 $0x0  }
0x38: {  	[sflag:s1] =	ssyncadd.s32 @p0 $0xFFFFFFE0  }
0x39: {  	v16 =	vld @p0 [tilespmem:$0x1E480]  }
0x3a: {  	v17 =	vld @p0 [tilespmem:$0x1E490];
	_ =	sdelay $0x3  }
0x3b: {  	[tilespmem:$0x1DF00] =	vst @p0 v16  }
0x3c: {  	[tilespmem:$0x1DF10] =	vst @p0 v17;
	v16 =	vimm.s32 @p0 $0xC350  }
0x3d: {  	[tilespmem:$0x1DF20] =	vst @p0 v16  }
0x3e: {  	[tilespmem:$0x1DF30] =	vst @p0 v16  }
0x3f: {  	[tilespmem:$0x1DF40] =	vst @p0 v16  }
0x40: {  	[tilespmem:$0x1DF50] =	vst @p0 v16  }
0x41: {  	[tilespmem:$0x1DF60] =	vst @p0 v16  }
0x42: {  	[tilespmem:$0x1DF70] =	vst @p0 v16  }
0x43: {  	[tilespmem:$0x1DF80] =	vst @p0 v16  }
0x44: {  	[tilespmem:$0x1DF90] =	vst @p0 v16  }
0x45: {  	[tilespmem:$0x1DFA0] =	vst @p0 v16  }
0x46: {  	[tilespmem:$0x1DFB0] =	vst @p0 v16  }
0x47: {  	[tilespmem:$0x1DFC0] =	vst @p0 v16  }
0x48: {  	[tilespmem:$0x1DFD0] =	vst @p0 v16  }
0x49: {  	[tilespmem:$0x1DFE0] =	vst @p0 v16  }
0x4a: {  	[tilespmem:$0x1DFF0] =	vst @p0 v16  }
0x4b: {  	[tilespmem:$0x1E000] =	vst @p0 v16  }
0x4c: {  	[tilespmem:$0x1E010] =	vst @p0 v16  }
0x4d: {  	[tilespmem:$0x1E020] =	vst @p0 v16  }
0x4e: {  	[tilespmem:$0x1E030] =	vst @p0 v16  }
0x4f: {  	[tilespmem:$0x1E040] =	vst @p0 v16  }
0x50: {  	[tilespmem:$0x1E050] =	vst @p0 v16  }
0x51: {  	[tilespmem:$0x1E060] =	vst @p0 v16  }
0x52: {  	s0 =	simm.s32 @!p0 $0x0;
	s1 =	simm.s32 @!p0 $0x1C800;
	[tilespmem:$0x1E070] =	vst @p0 v16  }
0x53: {  	[tilespmem:s1], [sflag:$0x3] =	stream.linear.gather @!p0 [hbm4b:s10+s0], $0x1880, $0x38;
	[tilespmem:$0x1FD80] =	vst v63  }
0x54: {  	s0 =	simm.s32 @!p0 $0x3  }
0x55: {  	_ =	swait.ge @!p0 [sflag:s0], $0x1880  }
0x56: {  	[sflag:s0] =	ssyncset.done @!p0 $0x0  }
0x57: {  	s1 =	simm.s32 $0x1C800;
	[sflag:s0] =	ssyncadd.s32 @!p0 $0xFFFFE780  }
0x58: {  	s2 =	simm.s32 $0x10;
	s0 =	simm.s32 $0x0;
	v16 =	vld [tilespmem:s1+$0x0]  }
.LBB2_2:
0x59: {  	p1 =	sne.s32 s2, $0x1870;
	_ =	sdelay $0x6  }
0x5a: {  	v17 =	vld.idx.msk [tilespmem:v16+s3+$0x0], $0xffff;
	_ =	sdelay $0x3  }
.Ltmp2:
0x5b: {  	(pc) =	sbr.rel @p1 .LBB2_2-.Ltmp2, $4  }
0x5c: {  	vm1 =	vgt.s32 v16, $0xC34F  }
0x5d: {  	s17 =	sand.u32 $0x1FF0, s0;
	s0 =	smov.u32 s2;
	v16 =	vsel vm1, $0x0, v17  }
0x5e: {  	s1 =	sadd.s32 $0x10, s1;
	[tilespmem:s17+$0xC380] =	vst v16  }
0x5f: {  	s2 =	sadd.s32 $0x10, s2;
	v16 =	vld [tilespmem:s1+$0x0]  }
0x60: {  	_ =	sdelay $0x7  }
0x61: {  	v17 =	vld.idx.msk [tilespmem:v16+s3+$0x0], $0xffff;
	_ =	sdelay $0x3  }
0x62: {  	vm1 =	vgt.s32 v16, $0xC34F  }
0x63: {  	s0 =	sand.u32 $0x1FF0, s0;
	v16 =	vsel vm1, $0x0, v17  }
0x64: {  	s26 =	simm.s32 $0xC380;
	[tilespmem:s0+$0xC380] =	vst v16  }
0x65: {  	[spmem:s13] =	stream.linear.scatter [tilespmem:s26], [sflag:$0x3], $0x1880, $0x38;
	[tilespmem:$0x1FD80] =	vst v63  }
0x66: {  	_ =	swait.ge [sflag:s19], $0x1880  }
0x67: {  	[sflag:s19] =	ssyncset.done $0x0  }
0x68: {  	[sflag:s19] =	ssyncadd.s32 $0xFFFFE780  }
0x69: {  	[bflag:$0x0] =	sbarrier.arrive $0xFFFF  }
0x6a: {  	s29 =	simm.s32 $0x0;
	s30 =	rddreg [dreg:$0x3]  }
0x6b: {  	[tilespmem:s29], [sflag:$0x3] =	stream.linear.gather [spmem:s30], $0x18800, $0x38;
	[tilespmem:$0x1FD80] =	vst v63  }
0x6c: {  	_ =	swait.ge [sflag:s19], $0x18800  }
0x6d: {  	[sflag:s19] =	ssyncset.done $0x0  }
0x6e: {  	s1 =	simm.s32 $0x1E280;
	s31 =	rddreg [dreg:$0x6];
	[sflag:s19] =	ssyncadd.s32 $0xFFFE7800  }
0x6f: {  	[tilespmem:s1], [sflag:$0x3] =	stream.linear.gather [hbm4b:s31+s29], $0x80, $0x38;
	[tilespmem:$0x1FD80] =	vst v63  }
0x70: {  	_ =	swait.ge [sflag:s19], $0x80  }
0x71: {  	[sflag:s19] =	ssyncset.done $0x0  }
0x72: {  	[sflag:s19] =	ssyncadd.s32 $0xFFFFFF80  }
0x73: {  	v16 =	vld [tilespmem:$0x1E280]  }
.LBB2_4:
0x74: {  	s30 =	sshll.u32 s29, $0x6;
	_ =	swait.ge [sflag:s23], $0x2000  }
0x75: {  	[sflag:s23] =	ssyncset.done $0x0;
	s0 =	sadd.s32 $0x1E080, s30  }
0x76: {  	p2 =	por $0x1, $0x1;
	s31 =	simm.s32 $0x0;
	[sflag:s23] =	ssyncadd.s32 $0xFFFFE000;
	v17 =	vmov s0  }
.LBB2_5:
0x77: {  	s0 =	sshll.u32 s31, $0xC  }
0x78: {  	s2 =	simm.s32 $0x0;
	s0 =	sand.u32 $0x3FFFF000, s0  }
0x79: {  	s20 =	simm.s32 $0x80;
	s2 =	sand.u32 $0x800, s2;
	s1 =	sadd.s32 $0x18800, s0  }
0x7a: {  	s0 =	sand.u32 $0x380, s20;
	s2 =	sadd.s32 s2, s1  }
0x7b: {  	s17 =	simm.s32 $0x0;
	s0 =	sadd.s32 s0, s2  }
0x7c: {  	s17 =	sand.u32 $0x300, s17;
	v18 =	vld [tilespmem:s0+$0x0]  }
0x7d: {  	s2 =	sadd.s32 s17, s2;
	v19 =	vld [tilespmem:s0+$0x10]  }
0x7e: {  	v20 =	vld [tilespmem:s2+$0x0]  }
0x7f: {  	v21 =	vld [tilespmem:s0+$0x20]  }
0x80: {  	v22 =	vld [tilespmem:s0+$0x430]  }
0x81: {  	v23 =	vld [tilespmem:s0+$0x30]  }
0x82: {  	v24 =	vld [tilespmem:s0+$0x50]  }
0x83: {  	v25 =	vld [tilespmem:s0+$0x40]  }
0x84: {  	v26 =	vld [tilespmem:s0+$0x60]  }
0x85: {  	v27 =	vld [tilespmem:s0+$0x70]  }
0x86: {  	v28 =	vld [tilespmem:s0+$0x400]  }
0x87: {  	v29 =	vld [tilespmem:s0+$0x410]  }
0x88: {  	v30 =	vld [tilespmem:s0+$0x420]  }
0x89: {  	v32 =	vld [tilespmem:s2+$0x10]  }
0x8a: {  	v33 =	vld [tilespmem:s2+$0x20]  }
0x8b: {  	v34 =	vld [tilespmem:s2+$0x30]  }
0x8c: {  	v35 =	vld [tilespmem:s2+$0x40]  }
0x8d: {  	v36 =	vld [tilespmem:s2+$0x50]  }
0x8e: {  	v37 =	vld [tilespmem:s2+$0x60]  }
0x8f: {  	v38 =	vld [tilespmem:s2+$0x70]  }
0x90: {  	v39 =	vld [tilespmem:s2+$0x400]  }
0x91: {  	v40 =	vld [tilespmem:s2+$0x410]  }
0x92: {  	s21 =	simm.s32 $0x200;
	v41 =	vld [tilespmem:s2+$0x420]  }
0x93: {  	s22 =	sand.u32 $0x800, s21;
	s20 =	simm.s32 $0x100;
	v42 =	vld [tilespmem:s2+$0x430]  }
0x94: {  	s20 =	sand.u32 $0x300, s20;
	v43 =	vld [tilespmem:s2+$0x438];
	s2 =	sadd.s32 s22, s1  }
0x95: {  	v31 =	vld [tilespmem:s0+$0x438];
	s21 =	sadd.s32 s20, s2  }
0x96: {  	v46 =	vld [tilespmem:s21+$0x0]  }
0x97: {  	v58 =	vld [tilespmem:s21+$0x10]  }
0x98: {  	v61 =	vld [tilespmem:s21+$0x20]  }
0x99: {  	s0 =	simm.s32 $0x180;
	v62 =	vld [tilespmem:s21+$0x30]  }
0x9a: {  	s26 =	sand.u32 $0x380, s0;
	v59 =	vld [tilespmem:s21+$0x40]  }
0x9b: {  	s17 =	sadd.s32 s26, s2;
	v60 =	vld [tilespmem:s21+$0x50]  }
0x9c: {  	v44 =	vld [tilespmem:s17+$0x0]  }
0x9d: {  	v45 =	vld [tilespmem:s17+$0x10]  }
0x9e: {  	v47 =	vld [tilespmem:s17+$0x20]  }
0x9f: {  	v48 =	vld [tilespmem:s17+$0x430]  }
0xa0: {  	v49 =	vld [tilespmem:s17+$0x30]  }
0xa1: {  	v50 =	vld [tilespmem:s17+$0x50]  }
0xa2: {  	v51 =	vld [tilespmem:s17+$0x40]  }
0xa3: {  	v52 =	vld [tilespmem:s17+$0x60]  }
0xa4: {  	v53 =	vld [tilespmem:s17+$0x70]  }
0xa5: {  	v54 =	vld [tilespmem:s17+$0x400]  }
0xa6: {  	v55 =	vld [tilespmem:s17+$0x410]  }
0xa7: {  	v56 =	vld [tilespmem:s17+$0x420]  }
0xa8: {  	v57 =	vld [tilespmem:s17+$0x438]  }
0xa9: {  	v18 =	vld.idx.msk [tilespmem:v18+s3+$0x0], $0xffff  }
0xaa: {  	v19 =	vld.idx.msk [tilespmem:v19+s3+$0x0], $0xffff  }
0xab: {  	v21 =	vld.idx.msk [tilespmem:v21+s3+$0x0], $0xffff  }
0xac: {  	v23 =	vld.idx.msk [tilespmem:v23+s3+$0x0], $0xffff  }
0xad: {  	v25 =	vld.idx.msk [tilespmem:v25+s3+$0x0], $0xffff  }
0xae: {  	v24 =	vld.idx.msk [tilespmem:v24+s3+$0x0], $0xffff  }
0xaf: {  	v26 =	vld.idx.msk [tilespmem:v26+s3+$0x0], $0xffff  }
0xb0: {  	v27 =	vld.idx.msk [tilespmem:v27+s3+$0x0], $0xffff  }
0xb1: {  	v28 =	vld.idx.msk [tilespmem:v28+s3+$0x0], $0xffff  }
0xb2: {  	v29 =	vld.idx.msk [tilespmem:v29+s3+$0x0], $0xffff  }
0xb3: {  	v30 =	vld.idx.msk [tilespmem:v30+s3+$0x0], $0xffff  }
0xb4: {  	v20 =	vld.idx.msk [tilespmem:v20+s3+$0x0], $0xffff  }
0xb5: {  	v22 =	vld.idx.msk [tilespmem:v22+s3+$0x0], $0xffff  }
0xb6: {  	v32 =	vld.idx.msk [tilespmem:v32+s3+$0x0], $0xffff  }
0xb7: {  	v33 =	vld.idx.msk [tilespmem:v33+s3+$0x0], $0xffff  }
0xb8: {  	v34 =	vld.idx.msk [tilespmem:v34+s3+$0x0], $0xffff  }
0xb9: {  	v35 =	vld.idx.msk [tilespmem:v35+s3+$0x0], $0xffff  }
0xba: {  	v36 =	vld.idx.msk [tilespmem:v36+s3+$0x0], $0xffff  }
0xbb: {  	v37 =	vld.idx.msk [tilespmem:v37+s3+$0x0], $0xffff  }
0xbc: {  	v38 =	vld.idx.msk [tilespmem:v38+s3+$0x0], $0xffff  }
0xbd: {  	v39 =	vld.idx.msk [tilespmem:v39+s3+$0x0], $0xffff  }
0xbe: {  	v40 =	vld.idx.msk [tilespmem:v40+s3+$0x0], $0xffff  }
0xbf: {  	v31 =	vsel vm0, $0x186A1, v31;
	v41 =	vld.idx.msk [tilespmem:v41+s3+$0x0], $0xffff  }
0xc0: {  	v44 =	vld.idx.msk [tilespmem:v44+s3+$0x0], $0xffff  }
0xc1: {  	v45 =	vld.idx.msk [tilespmem:v45+s3+$0x0], $0xffff  }
0xc2: {  	v42 =	vld.idx.msk [tilespmem:v42+s3+$0x0], $0xffff  }
0xc3: {  	v47 =	vld.idx.msk [tilespmem:v47+s3+$0x0], $0xffff  }
0xc4: {  	v31 =	vld.idx.msk [tilespmem:v31+s3+$0x0], $0xffff;
	v18 =	vadd.f32 v19, v18  }
0xc5: {  	v49 =	vld.idx.msk [tilespmem:v49+s3+$0x0], $0xffff  }
0xc6: {  	v63 =	vsel vm0, $0x186A1, v57;
	v57 =	vld.idx.msk [tilespmem:v58+s3+$0x0], $0xffff;
	v18 =	vadd.f32 v21, v18;
	v44 =	vadd.f32 v45, v44  }
0xc7: {  	v51 =	vld.idx.msk [tilespmem:v51+s3+$0x0], $0xffff  }
0xc8: {  	v50 =	vld.idx.msk [tilespmem:v50+s3+$0x0], $0xffff;
	v18 =	vadd.f32 v23, v18;
	v44 =	vadd.f32 v47, v44  }
0xc9: {  	v52 =	vld.idx.msk [tilespmem:v52+s3+$0x0], $0xffff;
	v20 =	vadd.f32 v32, v20  }
0xca: {  	v21 =	vld.idx.msk [tilespmem:v55+s3+$0x0], $0xffff;
	v18 =	vadd.f32 v25, v18;
	v55 =	vadd.f32 v49, v44  }
0xcb: {  	v53 =	vld.idx.msk [tilespmem:v53+s3+$0x0], $0xffff;
	v20 =	vadd.f32 v33, v20  }
0xcc: {  	v19 =	vld.idx.msk [tilespmem:v54+s3+$0x0], $0xffff;
	v18 =	vadd.f32 v24, v18;
	v32 =	vadd.f32 v51, v55  }
0xcd: {  	v58 =	vld.idx.msk [tilespmem:v63+s3+$0x0], $0xffff;
	v20 =	vadd.f32 v34, v20  }
0xce: {  	v23 =	vld.idx.msk [tilespmem:v56+s3+$0x0], $0xffff;
	v18 =	vadd.f32 v26, v18;
	v24 =	vadd.f32 v50, v32  }
0xcf: {  	v56 =	vld.idx.msk [tilespmem:v46+s3+$0x0], $0xffff;
	v20 =	vadd.f32 v35, v20  }
0xd0: {  	v25 =	vld.idx.msk [tilespmem:v48+s3+$0x0], $0xffff;
	v18 =	vadd.f32 v27, v18;
	v24 =	vadd.f32 v52, v24  }
0xd1: {  	v20 =	vadd.f32 v36, v20;
	v26 =	vld.idx.msk [tilespmem:v61+s3+$0x0], $0xffff  }
0xd2: {  	v61 =	vld [tilespmem:s21+$0x60];
	v18 =	vadd.f32 v28, v18;
	v24 =	vadd.f32 v53, v24  }
0xd3: {  	v20 =	vadd.f32 v37, v20;
	v28 =	vld [tilespmem:s21+$0x70]  }
0xd4: {  	v27 =	vld.idx.msk [tilespmem:v62+s3+$0x0], $0xffff;
	v18 =	vadd.f32 v29, v18;
	v19 =	vadd.f32 v19, v24  }
0xd5: {  	v20 =	vadd.f32 v38, v20;
	v29 =	vld [tilespmem:s21+$0x410]  }
0xd6: {  	v62 =	vld [tilespmem:s21+$0x400];
	v18 =	vadd.f32 v30, v18;
	v19 =	vadd.f32 v21, v19  }
0xd7: {  	v32 =	vld.idx.msk [tilespmem:v59+s3+$0x0], $0xffff;
	v20 =	vadd.f32 v39, v20;
	v24 =	vadd.f32 v57, v56  }
0xd8: {  	v21 =	vld [tilespmem:s21+$0x420];
	v18 =	vadd.f32 v22, v18;
	v19 =	vadd.f32 v23, v19  }
0xd9: {  	v22 =	vadd.f32 v40, v20;
	v20 =	vld [tilespmem:s21+$0x430];
	v23 =	vadd.f32 v26, v24  }
0xda: {  	v26 =	vld.idx.msk [tilespmem:v60+s3+$0x0], $0xffff;
	v19 =	vadd.f32 v25, v19  }
0xdb: {  	v24 =	vld.idx.msk [tilespmem:v28+s3+$0x0], $0xffff;
	v23 =	vadd.f32 v27, v23  }
0xdc: {  	v18 =	vadd.f32 v31, v18;
	v25 =	vld.idx.msk [tilespmem:v61+s3+$0x0], $0xffff;
	v28 =	vadd.f32 v58, v19;
	v19 =	vsel vm0, $0x186A1, v43  }
0xdd: {  	s2 =	simm.s32 $0x1E310;
	v27 =	vadd.f32 v41, v22;
	v22 =	vld.idx.msk [tilespmem:v29+s3+$0x0], $0xffff;
	v63 =	vadd.f32 v32, v23  }
0xde: {  	s17 =	simm.s32 $0x1E330;
	[tilespmem:s2+$0x0] =	vst v18;
	v23 =	vld.idx.msk [tilespmem:v62+s3+$0x0], $0xffff  }
0xdf: {  	p1 =	por p2, p2;
	s20 =	simm.s32 $0x2;
	v18 =	vadd.f32 v42, v27;
	[tilespmem:s17+$0x0] =	vst v28;
	v27 =	vadd.f32 v26, v63;
	v26 =	vld [tilespmem:s21+$0x438];
	s21 =	simm.s32 $0x400  }
.LBB2_6:
0xe0: {  	s22 =	sand.u32 $0x800, s21;
	v21 =	vld.idx.msk [tilespmem:v21+s3+$0x0], $0xffff;
	s0 =	sadd.s32 $0x100, s0  }
0xe1: {  	s20 =	sadd.s32 $0x2, s20;
	s22 =	sadd.s32 s22, s1;
	s26 =	sand.u32 $0x380, s0;
	v25 =	vadd.f32 v25, v27;
	v27 =	vld.idx.msk [tilespmem:v19+s3+$0x0], $0xffff  }
0xe2: {  	s5 =	sadd.s32 $0xFFFFFF80, s0;
	p2 =	slt.u32 s20, $0xE;
	s26 =	sadd.s32 s26, s22;
	v20 =	vld.idx.msk [tilespmem:v20+s3+$0x0], $0xffff  }
0xe3: {  	s5 =	sand.u32 $0x300, s5;
	v28 =	vld [tilespmem:s26+$0x0];
	v24 =	vadd.f32 v24, v25  }
0xe4: {  	s22 =	sadd.s32 s5, s22;
	v25 =	vld [tilespmem:s26+$0x10];
	v19 =	vsel vm0, $0x186A1, v26  }
0xe5: {  	v26 =	vld [tilespmem:s22+$0x0];
	v23 =	vadd.f32 v23, v24  }
0xe6: {  	v24 =	vld [tilespmem:s26+$0x20]  }
0xe7: {  	v18 =	vadd.f32 v27, v18;
	v29 =	vld [tilespmem:s26+$0x430];
	v22 =	vadd.f32 v22, v23  }
0xe8: {  	v23 =	vld [tilespmem:s26+$0x30]  }
0xe9: {  	v27 =	vld [tilespmem:s26+$0x50];
	v21 =	vadd.f32 v21, v22;
	[tilespmem:s2+$0xFFFFFFF0] =	vst v18;
	s2 =	smov.u32 s17  }
0xea: {  	v22 =	vld [tilespmem:s26+$0x40]  }
0xeb: {  	v28 =	vld.idx.msk [tilespmem:v28+s3+$0x0], $0xffff;
	v18 =	vadd.f32 v20, v21  }
0xec: {  	v20 =	vld.idx.msk [tilespmem:v25+s3+$0x0], $0xffff  }
0xed: {  	v21 =	vld [tilespmem:s26+$0x60]  }
0xee: {  	v24 =	vld.idx.msk [tilespmem:v24+s3+$0x0], $0xffff  }
0xef: {  	v25 =	vld [tilespmem:s26+$0x70]  }
0xf0: {  	v23 =	vld.idx.msk [tilespmem:v23+s3+$0x0], $0xffff  }
0xf1: {  	v30 =	vld [tilespmem:s26+$0x400]  }
0xf2: {  	v20 =	vadd.f32 v20, v28;
	v22 =	vld.idx.msk [tilespmem:v22+s3+$0x0], $0xffff  }
0xf3: {  	v28 =	vld [tilespmem:s26+$0x410]  }
0xf4: {  	v20 =	vadd.f32 v24, v20;
	v24 =	vld.idx.msk [tilespmem:v27+s3+$0x0], $0xffff  }
0xf5: {  	v27 =	vld [tilespmem:s26+$0x420]  }
0xf6: {  	v20 =	vadd.f32 v23, v20;
	v21 =	vld.idx.msk [tilespmem:v21+s3+$0x0], $0xffff  }
0xf7: {  	v23 =	vld [tilespmem:s26+$0x438]  }
0xf8: {  	v20 =	vadd.f32 v22, v20;
	v22 =	vld.idx.msk [tilespmem:v25+s3+$0x0], $0xffff  }
0xf9: {  	v25 =	vld [tilespmem:s22+$0x10]  }
0xfa: {  	v20 =	vadd.f32 v24, v20;
	v24 =	vld.idx.msk [tilespmem:v30+s3+$0x0], $0xffff  }
0xfb: {  	v30 =	vld [tilespmem:s22+$0x20]  }
0xfc: {  	v20 =	vadd.f32 v21, v20;
	v21 =	vld.idx.msk [tilespmem:v28+s3+$0x0], $0xffff  }
0xfd: {  	v23 =	vsel vm0, $0x186A1, v23;
	v28 =	vld [tilespmem:s22+$0x30]  }
0xfe: {  	v20 =	vadd.f32 v22, v20;
	v22 =	vld.idx.msk [tilespmem:v27+s3+$0x0], $0xffff  }
0xff: {  	v26 =	vld.idx.msk [tilespmem:v26+s3+$0x0], $0xffff  }
0x100: {  	v20 =	vadd.f32 v24, v20;
	v24 =	vld.idx.msk [tilespmem:v29+s3+$0x0], $0xffff  }
0x101: {  	v25 =	vld.idx.msk [tilespmem:v25+s3+$0x0], $0xffff  }
0x102: {  	v20 =	vadd.f32 v21, v20;
	v21 =	vld.idx.msk [tilespmem:v23+s3+$0x0], $0xffff  }
0x103: {  	v23 =	vld [tilespmem:s22+$0x40]  }
0x104: {  	v20 =	vadd.f32 v22, v20;
	v27 =	vld.idx.msk [tilespmem:v30+s3+$0x0], $0xffff  }
0x105: {  	v22 =	vld [tilespmem:s22+$0x50]  }
0x106: {  	v20 =	vadd.f32 v24, v20;
	v28 =	vld.idx.msk [tilespmem:v28+s3+$0x0], $0xffff  }
0x107: {  	v24 =	vadd.f32 v25, v26;
	v25 =	vld [tilespmem:s22+$0x60]  }
0x108: {  	v20 =	vadd.f32 v21, v20;
	v26 =	vld [tilespmem:s22+$0x70]  }
0x109: {  	s17 =	sadd.s32 $0x20, s17;
	v29 =	vld [tilespmem:s22+$0x400]  }
0x10a: {  	v21 =	vadd.f32 v27, v24;
	v27 =	vld [tilespmem:s22+$0x410];
	[tilespmem:s17+$0x0] =	vst v20  }
0x10b: {  	v23 =	vld.idx.msk [tilespmem:v23+s3+$0x0], $0xffff  }
0x10c: {  	v28 =	vadd.f32 v28, v21;
	v21 =	vld [tilespmem:s22+$0x420]  }
0x10d: {  	v30 =	vld.idx.msk [tilespmem:v22+s3+$0x0], $0xffff  }
0x10e: {  	v20 =	vld [tilespmem:s22+$0x430]  }
.Ltmp3:
0x10f: {  	v25 =	vld.idx.msk [tilespmem:v25+s3+$0x0], $0xffff;
	(pc) =	sbr.rel @p2 .LBB2_6-.Ltmp3, $4  }
0x110: {  	v24 =	vld.idx.msk [tilespmem:v26+s3+$0x0], $0xffff  }
0x111: {  	v26 =	vadd.f32 v23, v28;
	v23 =	vld.idx.msk [tilespmem:v29+s3+$0x0], $0xffff  }
0x112: {  	v22 =	vld.idx.msk [tilespmem:v27+s3+$0x0], $0xffff  }
0x113: {  	s21 =	sadd.s32 $0x200, s21;
	v27 =	vadd.f32 v30, v26;
	v26 =	vld [tilespmem:s22+$0x438]  }
0x114: {  	_ =	sdelay $0x1  }
0x115: {  	v25 =	vadd.f32 v25, v27;
	_ =	sdelay $0x1  }
0x116: {  	v24 =	vadd.f32 v24, v25;
	v52 =	vsel vm0, $0x186A1, v26  }
0x117: {  	v21 =	vld.idx.msk [tilespmem:v21+s3+$0x0], $0xffff  }
0x118: {  	v23 =	vadd.f32 v23, v24  }
0x119: {  	v20 =	vld.idx.msk [tilespmem:v20+s3+$0x0], $0xffff  }
0x11a: {  	v19 =	vld.idx.msk [tilespmem:v19+s3+$0x0], $0xffff;
	v22 =	vadd.f32 v22, v23  }
0x11b: {  	v53 =	vld.idx.msk [tilespmem:v52+s3+$0x0], $0xffff  }
0x11c: {  	v21 =	vadd.f32 v21, v22;
	_ =	sdelay $0x1  }
0x11d: {  	v20 =	vadd.f32 v20, v21  }
0x11e: {  	v18 =	vadd.f32 v19, v18  }
0x11f: {  	v19 =	vadd.f32 v53, v20  }
0x120: {  	[tilespmem:s2+$0xFFFFFFF0] =	vst v18  }
0x121: {  	[tilespmem:s17+$0xFFFFFFF0] =	vst v19  }
0x122: {  	v18 =	vld.idx.msk [tilespmem:v0+s24+$0x0], $0xffff  }
0x123: {  	v19 =	vld.idx.msk [tilespmem:v1+s24+$0x0], $0xffff;
	_ =	sdelay $0x1  }
0x124: {  	v54 =	vld.idx.msk [tilespmem:v2+s24+$0x0], $0xffff;
	_ =	sdelay $0x1  }
0x125: {  	v55 =	vld.idx.msk [tilespmem:v3+s24+$0x0], $0xffff  }
0x126: {  	v18 =	vadd.f32 v19, v18  }
0x127: {  	v19 =	vld.idx.msk [tilespmem:v4+s24+$0x0], $0xffff  }
0x128: {  	v18 =	vadd.f32 v54, v18  }
0x129: {  	v56 =	vld.idx.msk [tilespmem:v5+s24+$0x0], $0xffff  }
0x12a: {  	v18 =	vadd.f32 v55, v18  }
0x12b: {  	v57 =	vld.idx.msk [tilespmem:v6+s24+$0x0], $0xffff  }
0x12c: {  	v18 =	vadd.f32 v19, v18  }
0x12d: {  	v19 =	vld.idx.msk [tilespmem:v7+s24+$0x0], $0xffff  }
0x12e: {  	v18 =	vadd.f32 v56, v18  }
0x12f: {  	v58 =	vld.idx.msk [tilespmem:v8+s24+$0x0], $0xffff  }
0x130: {  	v18 =	vadd.f32 v57, v18  }
0x131: {  	v59 =	vld.idx.msk [tilespmem:v9+s24+$0x0], $0xffff  }
0x132: {  	v18 =	vadd.f32 v19, v18  }
0x133: {  	v19 =	vld.idx.msk [tilespmem:v10+s24+$0x0], $0xffff  }
0x134: {  	v18 =	vadd.f32 v58, v18  }
0x135: {  	v60 =	vld.idx.msk [tilespmem:v11+s24+$0x0], $0xffff  }
0x136: {  	v18 =	vadd.f32 v59, v18  }
0x137: {  	v61 =	vld.idx.msk [tilespmem:v12+s24+$0x0], $0xffff  }
0x138: {  	v18 =	vadd.f32 v19, v18  }
0x139: {  	v19 =	vld.idx.msk [tilespmem:v13+s24+$0x0], $0xffff  }
0x13a: {  	v18 =	vadd.f32 v60, v18  }
0x13b: {  	v62 =	vld.idx.msk [tilespmem:v14+s24+$0x0], $0xffff  }
0x13c: {  	v18 =	vadd.f32 v61, v18  }
0x13d: {  	v63 =	vld.idx.msk [tilespmem:v15+s24+$0x0], $0xffff  }
0x13e: {  	v18 =	vadd.f32 v19, v18;
	_ =	sdelay $0x1  }
0x13f: {  	v18 =	vadd.f32 v62, v18;
	_ =	sdelay $0x1  }
.Ltmp4:
0x140: {  	v18 =	vadd.f32 v63, v18;
	(pc) =	sbr.rel @p1 .LBB2_5-.Ltmp4, $4  }
0x141: {  	_ = 	snop  }
0x142: {  	s0 =	sshll.u32 s31, $0x4;
	v18 =	vadd.f32 v18, v16  }
0x143: {  	s0 =	sand.u32 $0x3FFFFFF0, s0  }
0x144: {  	s31 =	simm.s32 $0x1;
	p2 =	por $0x0, $0x0;
	[tilespmem:v17+s0+$0x0 ss:$0x1] =	vst.idx.msk $0xffff, v18  }
0x145: {  	p1 =	seq.s32 s29, $0x7  }
0x146: {  	s0 =	sadd.s32 @!p1 s4, s30  }
0x147: {  	s0 =	sshll.u32 @!p1 s0, $0x5  }
0x148: {  	s1 =	simm.s32 @!p1 $0x0;
	s2 =	simm.s32 @!p1 $0x18800;
	s0 =	sadd.s32 @!p1 s0, s14  }
0x149: {  	[tilespmem:s2], [sflag:$0x1] =	stream.linear.gather @!p1 [hbm4b:s0+s1], $0x2000, $0x38;
	[tilespmem:$0x1FD80] =	vst v63  }
0x14a: {  	s31 =	sor.u32 $0x20, s30;
	_ =	swait.ge [sflag:s25], $0x2000  }
0x14b: {  	s26 =	sadd.s32 $0x1E0A0, s30;
	p3 =	por $0x1, $0x1;
	[sflag:s25] =	ssyncset.done $0x0  }
0x14c: {  	s30 =	simm.s32 $0x0;
	v17 =	vmov s26;
	s1 =	simm.s32 $0x0;
	[sflag:s25] =	ssyncadd.s32 $0xFFFFE000  }
.LBB2_9:
0x14d: {  	s0 =	sshll.u32 s1, $0xC  }
0x14e: {  	s0 =	sand.u32 $0x3FFFF000, s0  }
0x14f: {  	s2 =	simm.s32 $0x80;
	s5 =	sand.u32 $0x800, s30;
	s0 =	sadd.s32 $0x1A800, s0  }
0x150: {  	s2 =	sand.u32 $0x380, s2;
	s5 =	sadd.s32 s5, s0  }
0x151: {  	s17 =	simm.s32 $0x0;
	s2 =	sadd.s32 s2, s5  }
0x152: {  	s17 =	sand.u32 $0x300, s17;
	v18 =	vld [tilespmem:s2+$0x0]  }
0x153: {  	s5 =	sadd.s32 s17, s5;
	v19 =	vld [tilespmem:s2+$0x10]  }
0x154: {  	v20 =	vld [tilespmem:s5+$0x0]  }
0x155: {  	v21 =	vld [tilespmem:s2+$0x20]  }
0x156: {  	v22 =	vld [tilespmem:s2+$0x430]  }
0x157: {  	v23 =	vld [tilespmem:s2+$0x30]  }
0x158: {  	v24 =	vld [tilespmem:s2+$0x50]  }
0x159: {  	v25 =	vld [tilespmem:s2+$0x40]  }
0x15a: {  	v26 =	vld [tilespmem:s2+$0x60]  }
0x15b: {  	v27 =	vld [tilespmem:s2+$0x70]  }
0x15c: {  	v28 =	vld [tilespmem:s2+$0x400]  }
0x15d: {  	v29 =	vld [tilespmem:s2+$0x410]  }
0x15e: {  	v30 =	vld [tilespmem:s2+$0x420]  }
0x15f: {  	v32 =	vld [tilespmem:s5+$0x10]  }
0x160: {  	v33 =	vld [tilespmem:s5+$0x20]  }
0x161: {  	v34 =	vld [tilespmem:s5+$0x30]  }
0x162: {  	v35 =	vld [tilespmem:s5+$0x40]  }
0x163: {  	v36 =	vld [tilespmem:s5+$0x50]  }
0x164: {  	v37 =	vld [tilespmem:s5+$0x60]  }
0x165: {  	v38 =	vld [tilespmem:s5+$0x70]  }
0x166: {  	v39 =	vld [tilespmem:s5+$0x400]  }
0x167: {  	v40 =	vld [tilespmem:s5+$0x410]  }
0x168: {  	s21 =	simm.s32 $0x200;
	v41 =	vld [tilespmem:s5+$0x420]  }
0x169: {  	s20 =	simm.s32 $0x100;
	s22 =	sand.u32 $0x800, s21;
	v42 =	vld [tilespmem:s5+$0x430]  }
0x16a: {  	s20 =	sand.u32 $0x300, s20;
	v43 =	vld [tilespmem:s5+$0x438];
	s5 =	sadd.s32 s22, s0  }
0x16b: {  	v31 =	vld [tilespmem:s2+$0x438];
	s22 =	sadd.s32 s20, s5  }
0x16c: {  	v46 =	vld [tilespmem:s22+$0x0]  }
0x16d: {  	v58 =	vld [tilespmem:s22+$0x10]  }
0x16e: {  	v61 =	vld [tilespmem:s22+$0x20]  }
0x16f: {  	s2 =	simm.s32 $0x180;
	v62 =	vld [tilespmem:s22+$0x30]  }
0x170: {  	s26 =	sand.u32 $0x380, s2;
	v59 =	vld [tilespmem:s22+$0x40]  }
0x171: {  	s17 =	sadd.s32 s26, s5;
	v60 =	vld [tilespmem:s22+$0x50]  }
0x172: {  	v44 =	vld [tilespmem:s17+$0x0]  }
0x173: {  	v45 =	vld [tilespmem:s17+$0x10]  }
0x174: {  	v47 =	vld [tilespmem:s17+$0x20]  }
0x175: {  	v48 =	vld [tilespmem:s17+$0x430]  }
0x176: {  	v49 =	vld [tilespmem:s17+$0x30]  }
0x177: {  	v50 =	vld [tilespmem:s17+$0x50]  }
0x178: {  	v51 =	vld [tilespmem:s17+$0x40]  }
0x179: {  	v52 =	vld [tilespmem:s17+$0x60]  }
0x17a: {  	v53 =	vld [tilespmem:s17+$0x70]  }
0x17b: {  	v54 =	vld [tilespmem:s17+$0x400]  }
0x17c: {  	v55 =	vld [tilespmem:s17+$0x410]  }
0x17d: {  	v56 =	vld [tilespmem:s17+$0x420]  }
0x17e: {  	v57 =	vld [tilespmem:s17+$0x438]  }
0x17f: {  	v18 =	vld.idx.msk [tilespmem:v18+s3+$0x0], $0xffff  }
0x180: {  	v19 =	vld.idx.msk [tilespmem:v19+s3+$0x0], $0xffff  }
0x181: {  	v21 =	vld.idx.msk [tilespmem:v21+s3+$0x0], $0xffff  }
0x182: {  	v23 =	vld.idx.msk [tilespmem:v23+s3+$0x0], $0xffff  }
0x183: {  	v25 =	vld.idx.msk [tilespmem:v25+s3+$0x0], $0xffff  }
0x184: {  	v24 =	vld.idx.msk [tilespmem:v24+s3+$0x0], $0xffff  }
0x185: {  	v26 =	vld.idx.msk [tilespmem:v26+s3+$0x0], $0xffff  }
0x186: {  	v27 =	vld.idx.msk [tilespmem:v27+s3+$0x0], $0xffff  }
0x187: {  	v28 =	vld.idx.msk [tilespmem:v28+s3+$0x0], $0xffff  }
0x188: {  	v29 =	vld.idx.msk [tilespmem:v29+s3+$0x0], $0xffff  }
0x189: {  	v30 =	vld.idx.msk [tilespmem:v30+s3+$0x0], $0xffff  }
0x18a: {  	v20 =	vld.idx.msk [tilespmem:v20+s3+$0x0], $0xffff  }
0x18b: {  	v22 =	vld.idx.msk [tilespmem:v22+s3+$0x0], $0xffff  }
0x18c: {  	v32 =	vld.idx.msk [tilespmem:v32+s3+$0x0], $0xffff  }
0x18d: {  	v33 =	vld.idx.msk [tilespmem:v33+s3+$0x0], $0xffff  }
0x18e: {  	v34 =	vld.idx.msk [tilespmem:v34+s3+$0x0], $0xffff  }
0x18f: {  	v35 =	vld.idx.msk [tilespmem:v35+s3+$0x0], $0xffff  }
0x190: {  	v36 =	vld.idx.msk [tilespmem:v36+s3+$0x0], $0xffff  }
0x191: {  	v37 =	vld.idx.msk [tilespmem:v37+s3+$0x0], $0xffff  }
0x192: {  	v38 =	vld.idx.msk [tilespmem:v38+s3+$0x0], $0xffff  }
0x193: {  	v39 =	vld.idx.msk [tilespmem:v39+s3+$0x0], $0xffff  }
0x194: {  	v40 =	vld.idx.msk [tilespmem:v40+s3+$0x0], $0xffff  }
0x195: {  	v31 =	vsel vm0, $0x186A1, v31;
	v41 =	vld.idx.msk [tilespmem:v41+s3+$0x0], $0xffff  }
0x196: {  	v44 =	vld.idx.msk [tilespmem:v44+s3+$0x0], $0xffff  }
0x197: {  	v45 =	vld.idx.msk [tilespmem:v45+s3+$0x0], $0xffff  }
0x198: {  	v42 =	vld.idx.msk [tilespmem:v42+s3+$0x0], $0xffff  }
0x199: {  	v47 =	vld.idx.msk [tilespmem:v47+s3+$0x0], $0xffff  }
0x19a: {  	v31 =	vld.idx.msk [tilespmem:v31+s3+$0x0], $0xffff;
	v18 =	vadd.f32 v19, v18  }
0x19b: {  	v49 =	vld.idx.msk [tilespmem:v49+s3+$0x0], $0xffff  }
0x19c: {  	v63 =	vsel vm0, $0x186A1, v57;
	v57 =	vld.idx.msk [tilespmem:v58+s3+$0x0], $0xffff;
	v18 =	vadd.f32 v21, v18;
	v44 =	vadd.f32 v45, v44  }
0x19d: {  	v51 =	vld.idx.msk [tilespmem:v51+s3+$0x0], $0xffff  }
0x19e: {  	v50 =	vld.idx.msk [tilespmem:v50+s3+$0x0], $0xffff;
	v18 =	vadd.f32 v23, v18;
	v44 =	vadd.f32 v47, v44  }
0x19f: {  	v52 =	vld.idx.msk [tilespmem:v52+s3+$0x0], $0xffff;
	v20 =	vadd.f32 v32, v20  }
0x1a0: {  	v21 =	vld.idx.msk [tilespmem:v55+s3+$0x0], $0xffff;
	v18 =	vadd.f32 v25, v18;
	v55 =	vadd.f32 v49, v44  }
0x1a1: {  	v53 =	vld.idx.msk [tilespmem:v53+s3+$0x0], $0xffff;
	v20 =	vadd.f32 v33, v20  }
0x1a2: {  	v19 =	vld.idx.msk [tilespmem:v54+s3+$0x0], $0xffff;
	v18 =	vadd.f32 v24, v18;
	v32 =	vadd.f32 v51, v55  }
0x1a3: {  	v58 =	vld.idx.msk [tilespmem:v63+s3+$0x0], $0xffff;
	v20 =	vadd.f32 v34, v20  }
0x1a4: {  	v23 =	vld.idx.msk [tilespmem:v56+s3+$0x0], $0xffff;
	v18 =	vadd.f32 v26, v18;
	v24 =	vadd.f32 v50, v32  }
0x1a5: {  	v56 =	vld.idx.msk [tilespmem:v46+s3+$0x0], $0xffff;
	v20 =	vadd.f32 v35, v20  }
0x1a6: {  	v25 =	vld.idx.msk [tilespmem:v48+s3+$0x0], $0xffff;
	v18 =	vadd.f32 v27, v18;
	v24 =	vadd.f32 v52, v24  }
0x1a7: {  	v20 =	vadd.f32 v36, v20;
	v26 =	vld.idx.msk [tilespmem:v61+s3+$0x0], $0xffff  }
0x1a8: {  	v61 =	vld [tilespmem:s22+$0x60];
	v18 =	vadd.f32 v28, v18;
	v24 =	vadd.f32 v53, v24  }
0x1a9: {  	v20 =	vadd.f32 v37, v20;
	v28 =	vld [tilespmem:s22+$0x70]  }
0x1aa: {  	v27 =	vld.idx.msk [tilespmem:v62+s3+$0x0], $0xffff;
	v18 =	vadd.f32 v29, v18;
	v19 =	vadd.f32 v19, v24  }
0x1ab: {  	v20 =	vadd.f32 v38, v20;
	v29 =	vld [tilespmem:s22+$0x410]  }
0x1ac: {  	v62 =	vld [tilespmem:s22+$0x400];
	v18 =	vadd.f32 v30, v18;
	v19 =	vadd.f32 v21, v19  }
0x1ad: {  	v32 =	vld.idx.msk [tilespmem:v59+s3+$0x0], $0xffff;
	v20 =	vadd.f32 v39, v20;
	v24 =	vadd.f32 v57, v56  }
0x1ae: {  	v21 =	vld [tilespmem:s22+$0x420];
	v18 =	vadd.f32 v22, v18;
	v19 =	vadd.f32 v23, v19  }
0x1af: {  	v22 =	vadd.f32 v40, v20;
	v20 =	vld [tilespmem:s22+$0x430];
	v23 =	vadd.f32 v26, v24  }
0x1b0: {  	v26 =	vld.idx.msk [tilespmem:v60+s3+$0x0], $0xffff;
	v19 =	vadd.f32 v25, v19  }
0x1b1: {  	v24 =	vld.idx.msk [tilespmem:v28+s3+$0x0], $0xffff;
	v23 =	vadd.f32 v27, v23  }
0x1b2: {  	v18 =	vadd.f32 v31, v18;
	v25 =	vld.idx.msk [tilespmem:v61+s3+$0x0], $0xffff;
	v28 =	vadd.f32 v58, v19;
	v19 =	vsel vm0, $0x186A1, v43  }
0x1b3: {  	s17 =	simm.s32 $0x1E310;
	v27 =	vadd.f32 v41, v22;
	v22 =	vld.idx.msk [tilespmem:v29+s3+$0x0], $0xffff;
	v63 =	vadd.f32 v32, v23  }
0x1b4: {  	s20 =	simm.s32 $0x1E330;
	[tilespmem:s17+$0x0] =	vst v18;
	v23 =	vld.idx.msk [tilespmem:v62+s3+$0x0], $0xffff  }
0x1b5: {  	p2 =	por p3, p3;
	s21 =	simm.s32 $0x2;
	v18 =	vadd.f32 v42, v27;
	[tilespmem:s20+$0x0] =	vst v28;
	v27 =	vadd.f32 v26, v63;
	v26 =	vld [tilespmem:s22+$0x438];
	s22 =	simm.s32 $0x400  }
.LBB2_10:
0x1b6: {  	s5 =	sand.u32 $0x800, s22;
	v21 =	vld.idx.msk [tilespmem:v21+s3+$0x0], $0xffff;
	s2 =	sadd.s32 $0x100, s2  }
0x1b7: {  	s21 =	sadd.s32 $0x2, s21;
	s5 =	sadd.s32 s5, s0;
	s26 =	sand.u32 $0x380, s2;
	v25 =	vadd.f32 v25, v27;
	v27 =	vld.idx.msk [tilespmem:v19+s3+$0x0], $0xffff  }
0x1b8: {  	s6 =	sadd.s32 $0xFFFFFF80, s2;
	p3 =	slt.u32 s21, $0xE;
	s7 =	sadd.s32 s26, s5;
	v20 =	vld.idx.msk [tilespmem:v20+s3+$0x0], $0xffff  }
0x1b9: {  	s6 =	sand.u32 $0x300, s6;
	v28 =	vld [tilespmem:s7+$0x0];
	v24 =	vadd.f32 v24, v25  }
0x1ba: {  	s26 =	sadd.s32 s6, s5;
	v25 =	vld [tilespmem:s7+$0x10];
	v19 =	vsel vm0, $0x186A1, v26  }
0x1bb: {  	v26 =	vld [tilespmem:s26+$0x0];
	v23 =	vadd.f32 v23, v24  }
0x1bc: {  	v24 =	vld [tilespmem:s7+$0x20]  }
0x1bd: {  	v18 =	vadd.f32 v27, v18;
	v29 =	vld [tilespmem:s7+$0x430];
	v22 =	vadd.f32 v22, v23  }
0x1be: {  	v23 =	vld [tilespmem:s7+$0x30]  }
0x1bf: {  	v27 =	vld [tilespmem:s7+$0x50];
	v21 =	vadd.f32 v21, v22;
	[tilespmem:s17+$0xFFFFFFF0] =	vst v18;
	s17 =	smov.u32 s20  }
0x1c0: {  	v22 =	vld [tilespmem:s7+$0x40]  }
0x1c1: {  	v28 =	vld.idx.msk [tilespmem:v28+s3+$0x0], $0xffff;
	v18 =	vadd.f32 v20, v21  }
0x1c2: {  	v20 =	vld.idx.msk [tilespmem:v25+s3+$0x0], $0xffff  }
0x1c3: {  	v21 =	vld [tilespmem:s7+$0x60]  }
0x1c4: {  	v24 =	vld.idx.msk [tilespmem:v24+s3+$0x0], $0xffff  }
0x1c5: {  	v25 =	vld [tilespmem:s7+$0x70]  }
0x1c6: {  	v23 =	vld.idx.msk [tilespmem:v23+s3+$0x0], $0xffff  }
0x1c7: {  	v30 =	vld [tilespmem:s7+$0x400]  }
0x1c8: {  	v20 =	vadd.f32 v20, v28;
	v22 =	vld.idx.msk [tilespmem:v22+s3+$0x0], $0xffff  }
0x1c9: {  	v28 =	vld [tilespmem:s7+$0x410]  }
0x1ca: {  	v20 =	vadd.f32 v24, v20;
	v24 =	vld.idx.msk [tilespmem:v27+s3+$0x0], $0xffff  }
0x1cb: {  	v27 =	vld [tilespmem:s7+$0x420]  }
0x1cc: {  	v20 =	vadd.f32 v23, v20;
	v21 =	vld.idx.msk [tilespmem:v21+s3+$0x0], $0xffff  }
0x1cd: {  	v23 =	vld [tilespmem:s7+$0x438]  }
0x1ce: {  	v20 =	vadd.f32 v22, v20;
	v22 =	vld.idx.msk [tilespmem:v25+s3+$0x0], $0xffff  }
0x1cf: {  	v25 =	vld [tilespmem:s26+$0x10]  }
0x1d0: {  	v20 =	vadd.f32 v24, v20;
	v24 =	vld.idx.msk [tilespmem:v30+s3+$0x0], $0xffff  }
0x1d1: {  	v30 =	vld [tilespmem:s26+$0x20]  }
0x1d2: {  	v20 =	vadd.f32 v21, v20;
	v21 =	vld.idx.msk [tilespmem:v28+s3+$0x0], $0xffff  }
0x1d3: {  	v23 =	vsel vm0, $0x186A1, v23;
	v28 =	vld [tilespmem:s26+$0x30]  }
0x1d4: {  	v20 =	vadd.f32 v22, v20;
	v22 =	vld.idx.msk [tilespmem:v27+s3+$0x0], $0xffff  }
0x1d5: {  	v26 =	vld.idx.msk [tilespmem:v26+s3+$0x0], $0xffff  }
0x1d6: {  	v20 =	vadd.f32 v24, v20;
	v24 =	vld.idx.msk [tilespmem:v29+s3+$0x0], $0xffff  }
0x1d7: {  	v25 =	vld.idx.msk [tilespmem:v25+s3+$0x0], $0xffff  }
0x1d8: {  	v20 =	vadd.f32 v21, v20;
	v21 =	vld.idx.msk [tilespmem:v23+s3+$0x0], $0xffff  }
0x1d9: {  	v23 =	vld [tilespmem:s26+$0x40]  }
0x1da: {  	v20 =	vadd.f32 v22, v20;
	v27 =	vld.idx.msk [tilespmem:v30+s3+$0x0], $0xffff  }
0x1db: {  	v22 =	vld [tilespmem:s26+$0x50]  }
0x1dc: {  	v20 =	vadd.f32 v24, v20;
	v28 =	vld.idx.msk [tilespmem:v28+s3+$0x0], $0xffff  }
0x1dd: {  	v24 =	vadd.f32 v25, v26;
	v25 =	vld [tilespmem:s26+$0x60]  }
0x1de: {  	v20 =	vadd.f32 v21, v20;
	v26 =	vld [tilespmem:s26+$0x70]  }
0x1df: {  	s20 =	sadd.s32 $0x20, s20;
	v29 =	vld [tilespmem:s26+$0x400]  }
0x1e0: {  	v21 =	vadd.f32 v27, v24;
	v27 =	vld [tilespmem:s26+$0x410];
	[tilespmem:s20+$0x0] =	vst v20  }
0x1e1: {  	v23 =	vld.idx.msk [tilespmem:v23+s3+$0x0], $0xffff  }
0x1e2: {  	v28 =	vadd.f32 v28, v21;
	v21 =	vld [tilespmem:s26+$0x420]  }
0x1e3: {  	v30 =	vld.idx.msk [tilespmem:v22+s3+$0x0], $0xffff  }
0x1e4: {  	v20 =	vld [tilespmem:s26+$0x430]  }
.Ltmp5:
0x1e5: {  	v25 =	vld.idx.msk [tilespmem:v25+s3+$0x0], $0xffff;
	(pc) =	sbr.rel @p3 .LBB2_10-.Ltmp5, $4  }
0x1e6: {  	v24 =	vld.idx.msk [tilespmem:v26+s3+$0x0], $0xffff  }
0x1e7: {  	v26 =	vadd.f32 v23, v28;
	v23 =	vld.idx.msk [tilespmem:v29+s3+$0x0], $0xffff  }
0x1e8: {  	v22 =	vld.idx.msk [tilespmem:v27+s3+$0x0], $0xffff  }
0x1e9: {  	s22 =	sadd.s32 $0x200, s22;
	v27 =	vadd.f32 v30, v26;
	v26 =	vld [tilespmem:s26+$0x438]  }
0x1ea: {  	_ =	sdelay $0x1  }
0x1eb: {  	v25 =	vadd.f32 v25, v27;
	_ =	sdelay $0x1  }
0x1ec: {  	v24 =	vadd.f32 v24, v25;
	v52 =	vsel vm0, $0x186A1, v26  }
0x1ed: {  	v21 =	vld.idx.msk [tilespmem:v21+s3+$0x0], $0xffff  }
0x1ee: {  	v23 =	vadd.f32 v23, v24  }
0x1ef: {  	v20 =	vld.idx.msk [tilespmem:v20+s3+$0x0], $0xffff  }
0x1f0: {  	v19 =	vld.idx.msk [tilespmem:v19+s3+$0x0], $0xffff;
	v22 =	vadd.f32 v22, v23  }
0x1f1: {  	v53 =	vld.idx.msk [tilespmem:v52+s3+$0x0], $0xffff  }
0x1f2: {  	v21 =	vadd.f32 v21, v22;
	_ =	sdelay $0x1  }
0x1f3: {  	v20 =	vadd.f32 v20, v21  }
0x1f4: {  	v18 =	vadd.f32 v19, v18  }
0x1f5: {  	v19 =	vadd.f32 v53, v20  }
0x1f6: {  	[tilespmem:s17+$0xFFFFFFF0] =	vst v18  }
0x1f7: {  	[tilespmem:s20+$0xFFFFFFF0] =	vst v19  }
0x1f8: {  	v18 =	vld.idx.msk [tilespmem:v0+s24+$0x0], $0xffff  }
0x1f9: {  	v19 =	vld.idx.msk [tilespmem:v1+s24+$0x0], $0xffff;
	_ =	sdelay $0x1  }
0x1fa: {  	v54 =	vld.idx.msk [tilespmem:v2+s24+$0x0], $0xffff;
	_ =	sdelay $0x1  }
0x1fb: {  	v55 =	vld.idx.msk [tilespmem:v3+s24+$0x0], $0xffff  }
0x1fc: {  	v18 =	vadd.f32 v19, v18  }
0x1fd: {  	v19 =	vld.idx.msk [tilespmem:v4+s24+$0x0], $0xffff  }
0x1fe: {  	v18 =	vadd.f32 v54, v18  }
0x1ff: {  	v56 =	vld.idx.msk [tilespmem:v5+s24+$0x0], $0xffff  }
0x200: {  	v18 =	vadd.f32 v55, v18  }
0x201: {  	v57 =	vld.idx.msk [tilespmem:v6+s24+$0x0], $0xffff  }
0x202: {  	v18 =	vadd.f32 v19, v18  }
0x203: {  	v19 =	vld.idx.msk [tilespmem:v7+s24+$0x0], $0xffff  }
0x204: {  	v18 =	vadd.f32 v56, v18  }
0x205: {  	v58 =	vld.idx.msk [tilespmem:v8+s24+$0x0], $0xffff  }
0x206: {  	v18 =	vadd.f32 v57, v18  }
0x207: {  	v59 =	vld.idx.msk [tilespmem:v9+s24+$0x0], $0xffff  }
0x208: {  	v18 =	vadd.f32 v19, v18  }
0x209: {  	v19 =	vld.idx.msk [tilespmem:v10+s24+$0x0], $0xffff  }
0x20a: {  	v18 =	vadd.f32 v58, v18  }
0x20b: {  	v60 =	vld.idx.msk [tilespmem:v11+s24+$0x0], $0xffff  }
0x20c: {  	v18 =	vadd.f32 v59, v18  }
0x20d: {  	v61 =	vld.idx.msk [tilespmem:v12+s24+$0x0], $0xffff  }
0x20e: {  	v18 =	vadd.f32 v19, v18  }
0x20f: {  	v19 =	vld.idx.msk [tilespmem:v13+s24+$0x0], $0xffff  }
0x210: {  	v18 =	vadd.f32 v60, v18  }
0x211: {  	v62 =	vld.idx.msk [tilespmem:v14+s24+$0x0], $0xffff  }
0x212: {  	v18 =	vadd.f32 v61, v18  }
0x213: {  	v63 =	vld.idx.msk [tilespmem:v15+s24+$0x0], $0xffff  }
0x214: {  	v18 =	vadd.f32 v19, v18;
	_ =	sdelay $0x1  }
0x215: {  	v18 =	vadd.f32 v62, v18;
	_ =	sdelay $0x1  }
.Ltmp6:
0x216: {  	v18 =	vadd.f32 v63, v18;
	(pc) =	sbr.rel @p2 .LBB2_9-.Ltmp6, $4  }
0x217: {  	_ = 	snop  }
0x218: {  	s0 =	sshll.u32 s1, $0x4;
	v18 =	vadd.f32 v18, v16  }
0x219: {  	s0 =	sand.u32 $0x3FFFFFF0, s0  }
0x21a: {  	s1 =	simm.s32 $0x1;
	p3 =	por $0x0, $0x0;
	[tilespmem:v17+s0+$0x0 ss:$0x1] =	vst.idx.msk $0xffff, v18  }
.Ltmp7:
0x21b: {  	(pc) =	sbr.rel @p1 .LBB2_14-.Ltmp7, $1  }
0x21c: {  	_ =	sdelay $0x3  }
.Ltmp8:
0x21d: {  	(pc) =	sbr.rel .LBB2_4-.Ltmp8, $4  }
0x21e: {  	s0 =	sadd.s32 s4, s31  }
0x21f: {  	s0 =	sshll.u32 s0, $0x5  }
0x220: {  	s29 =	sadd.s32 $0x1, s29;
	s0 =	sadd.s32 s0, s14  }
0x221: {  	[tilespmem:s18], [sflag:$0x2] =	stream.linear.gather [hbm4b:s0+s3], $0x2000, $0x38;
	[tilespmem:$0x1FD80] =	vst v63  }
.LBB2_15:
0x222: {  	_ =	sfence.sel $0x180000  }
0x223: {  	[bflag:$0x0] =	sbarrier.arrive $0xFFFF  }
0x224: {  	_ =	strace $0x90000047  }
0x225: {  	s0 =	stileid.u32;
	[bflag:$0x2] =	sbarrier.arrive $0xFFFF  }
0x226: {  	p0 =	sne.s32 s0, $0x0;
	s0 =	rddreg [dreg:$0x4]  }
0x227: {  	s0 =	sadd.s32 @!p0 $0x100000, s0  }
0x228: {  	[sflag:s0] =	ssyncadd.tile.s32 @!p0 $0x1;
	_ =	shalt  }
.Lfunc_end2:
_tile_overlayer_lowered:
.L_overlay_start_2:
0x229: {  	(tag) =	ssettag $0x2  }
0x22a: {  	s0 =	rddreg [dreg:$0x0];
	s2 =	stileid.u32  }
0x22b: {  	s1 =	rddreg [dreg:$0x1];
	p0 =	sne.s32 s2, $0x0  }
0x22c: {  	s3 =	rddreg [dreg:$0x2];
	[bflag:$0x3] =	sbarrier.arrive $0xFFFF;
	s2 =	simm.s32 @!p0 $0x1C03  }
0x22d: {  	[timem:s3], [sflag:s2] =	dma.local @!p0 [hbm:s0], s1  }
0x22e: {  	s0 =	simm.s32 @!p0 $0x3  }
0x22f: {  	_ =	swait.ge @!p0 [sflag:s0], s1  }
0x230: {  	s1 =	ssub.s32 @!p0 $0x0, s1;
	[sflag:s0] =	ssyncset.done @!p0 $0x0  }
0x231: {  	[sflag:s0] =	ssyncadd.s32 @!p0 s1  }
0x232: {  	[bflag:$0x3] =	sbarrier.arrive $0xFFFF  }
0x233: {  	_ =	shalt  }

</sc_bundles>
